<compile_context>
chip_gen: v7x
topology: tpu7x:2x2x1
jax: 0.10.2.dev20260603
libtpu: 0.0.44.dev20260713+nightly
codegen_flags: <defaults>
</compile_context>

<pallas_src>
import functools
import math

import jax
import jax.numpy as jnp
from jax import lax
from jax.experimental import pallas as pl
from jax.experimental.pallas import tpu as pltpu
from jax.experimental.pallas import tpu_sc as plsc

_EMB = 64
_SCALE = math.sqrt(_EMB)
_NC = 2
_NS = 16
_NW = _NC * _NS
_C = 128
_G = 4
_CC = _C * _G
_LANES = 16


@functools.partial(jax.jit, static_argnames=("n_steps",))
def _embed(tok, table, n_steps):
    bpw = n_steps * _CC
    b_total = _NW * bpw

    mesh = plsc.VectorSubcoreMesh(core_axis_name="c", subcore_axis_name="s")

    @functools.partial(
        pl.kernel,
        out_type=jax.ShapeDtypeStruct((b_total, _EMB), jnp.float32),
        mesh=mesh,
        compiler_params=pltpu.CompilerParams(use_tc_tiling_on_sc=False),
        scratch_types=[
            pltpu.VMEM((n_steps * _G, _C), jnp.int32),
            pltpu.VMEM((_CC, _EMB), jnp.float32),
            pltpu.VMEM((_CC, _EMB), jnp.float32),
            pltpu.SemaphoreType.DMA,
            pltpu.SemaphoreType.DMA,
            pltpu.SemaphoreType.DMA,
            pltpu.SemaphoreType.DMA,
        ],
    )
    def k(tok_hbm, table_hbm, out_hbm, idx_v, rows0, rows1, g0, g1, s0, s1):
        wid = lax.axis_index("s") * _NC + lax.axis_index("c")
        base = wid * bpw
        pltpu.sync_copy(tok_hbm.at[wid], idx_v)

        bufs = ((rows0, g0, s0), (rows1, g1, s1))

        def gstart(i, rows, gsem):
            for j in range(_G):
                pltpu.async_copy(
                    table_hbm.at[idx_v.at[i * _G + j]],
                    rows.at[pl.ds(j * _C, _C)],
                    gsem,
                )

        def gwait(i, rows, gsem):
            for j in range(_G):
                pltpu.make_async_copy(
                    table_hbm.at[idx_v.at[i * _G + j]],
                    rows.at[pl.ds(j * _C, _C)],
                    gsem,
                ).wait()

        gstart(0, rows0, g0)

        def pair(g, _):
            for b in range(2):
                i = g * 2 + b
                rows_b, gs_b, ss_b = bufs[b]
                rows_n, gs_n, ss_n = bufs[1 - b]

                @pl.when(i > 0)
                def _():
                    pltpu.make_async_copy(
                        rows_n,
                        out_hbm.at[pl.ds(base + (i - 1) * _CC, _CC)],
                        ss_n,
                    ).wait()

                @pl.when(i + 1 < n_steps)
                def _():
                    gstart(i + 1, rows_n, gs_n)

                gwait(i, rows_b, gs_b)

                @plsc.parallel_loop(0, _CC, step=1, unroll=8)
                def _(j):
                    for l in range(_EMB // _LANES):
                        sl = (j, pl.ds(l * _LANES, _LANES))
                        rows_b[sl] = rows_b[sl] * _SCALE

                pltpu.async_copy(
                    rows_b, out_hbm.at[pl.ds(base + i * _CC, _CC)], ss_b
                )
            return 0

        lax.fori_loop(0, n_steps // 2, pair, 0)

        last = n_steps - 1
        pltpu.make_async_copy(
            rows1, out_hbm.at[pl.ds(base + last * _CC, _CC)], s1
        ).wait()

    return k(tok, table)


def kernel(tokens, table):
    b0, b1 = tokens.shape
    b_total = b0 * b1
    n_steps = b_total // (_NW * _CC)
    tok = tokens.astype(jnp.int32).reshape(_NW, n_steps * _G, _C)
    out = _embed(tok, table, n_steps)
    return out.reshape(b0, b1, _EMB)

# --- scband reference (transcript-rebuilt; emitter-appended) ---
"""Pipeline reference for scband-token-embedding-33827162423661 (READ-ONLY COPY).

The authoritative reference and input builder live on the scoring server;
editing this copy changes nothing except your own understanding.
"""

import jax, jax.numpy as jnp
import numpy as np
import math

VOCAB = 1000000
EMB = 64

def setup_inputs(seed: int = 0) -> dict:
    key = jax.random.key(seed)
    k1, k2 = jax.random.split(key)
    tokens = jax.random.randint(k1, (4096, 200), 0, VOCAB, dtype=jnp.int64)
    # nn.Embedding default init: N(0, 1)
    table = jax.random.normal(k2, (VOCAB, EMB), dtype=jnp.float32)
    return {"tokens": tokens, "table": table}

def reference(tokens, table):
    sqrt_emb = math.sqrt(EMB)
    emb = jnp.take(table, tokens, axis=0)
    return emb * sqrt_emb

if __name__ == "__main__":
    import jax
    _d = setup_inputs()
    print(jax.jit(kernel)(*tuple(_d.values())))

</pallas_src>

<mosaic_0001>
#map = affine_map<(d0, d1) -> (0, 0, 0)>
#map1 = affine_map<(d0, d1) -> (0, 0)>
module attributes {stable_mosaic.version = 14 : i64} {
  func.func @k(%arg0: i32, %arg1: i32, %arg2: memref<32x200x128xi32, #tpu.memory_space<hbm>>, %arg3: memref<1000000x64xf32, #tpu.memory_space<hbm>>, %arg4: memref<819200x64xf32, #tpu.memory_space<hbm>>, %arg5: memref<200x128xi32, #tpu.memory_space<vmem>>, %arg6: memref<512x64xf32, #tpu.memory_space<vmem>>, %arg7: memref<512x64xf32, #tpu.memory_space<vmem>>, %arg8: memref<!tpu.dma_semaphore, #tpu.memory_space<semaphore_mem>>, %arg9: memref<!tpu.dma_semaphore, #tpu.memory_space<semaphore_mem>>, %arg10: memref<!tpu.dma_semaphore, #tpu.memory_space<semaphore_mem>>, %arg11: memref<!tpu.dma_semaphore, #tpu.memory_space<semaphore_mem>>) attributes {dimension_semantics = [#tpu.dimension_semantics<core_parallel>, #tpu.dimension_semantics<subcore_parallel>], iteration_bounds = array<i64: 2, 16>, scalar_prefetch = 0 : i64, scratch_operands = 7 : i64, tpu.core_type = #tpu.core_type<sc_vector_subcore>, window_params = [{transform_indices = #map}, {transform_indices = #map1}, {transform_indices = #map1}]} {
    %mul3A = arith.constant 2 : i32
    %mul3A_0 = arith.muli %arg1, %mul3A : i32
    %add3A = arith.addi %mul3A_0, %arg0 : i32
    %mul3A_1 = arith.constant 25600 : i32
    %mul3A_2 = arith.muli %add3A, %mul3A_1 : i32
    "tpu.region"() ({
      %run_scoped3A = tpu.sem_alloc : memref<!tpu.dma_semaphore, #tpu.memory_space<semaphore_mem>>
      %dma_start3A_53 = arith.constant 0 : i32
      %dma_start3A_54 = arith.constant 0 : i32
      %dma_start3A_55 = tpu.memref_slice %arg2[%add3A, %dma_start3A_53, %dma_start3A_54] : memref<32x200x128xi32, #tpu.memory_space<hbm>> -> memref<1x200x128xi32, #tpu.memory_space<hbm>>
      %dma_start3A_56 = tpu.memref_squeeze %dma_start3A_55 : memref<1x200x128xi32, #tpu.memory_space<hbm>> -> memref<200x128xi32, #tpu.memory_space<hbm>>
      %dma_start3A_57 = arith.constant 0 : i32
      %dma_start3A_58 = arith.constant 0 : i32
      %dma_start3A_59 = tpu.memref_slice %arg2[%add3A, %dma_start3A_57, %dma_start3A_58] : memref<32x200x128xi32, #tpu.memory_space<hbm>> -> memref<1x200x128xi32, #tpu.memory_space<hbm>>
      %dma_start3A_60 = tpu.memref_squeeze %dma_start3A_59 : memref<1x200x128xi32, #tpu.memory_space<hbm>> -> memref<200x128xi32, #tpu.memory_space<hbm>>
      tpu.enqueue_dma source(%dma_start3A_60 : memref<200x128xi32, #tpu.memory_space<hbm>>) target(%arg5 : memref<200x128xi32, #tpu.memory_space<vmem>>) target_semaphore(%run_scoped3A : memref<!tpu.dma_semaphore, #tpu.memory_space<semaphore_mem>>)
      %dma_wait3A_61 = arith.constant 0 : i32
      %dma_wait3A_62 = arith.constant 0 : i32
      %dma_wait3A_63 = tpu.memref_slice %arg2[%add3A, %dma_wait3A_61, %dma_wait3A_62] : memref<32x200x128xi32, #tpu.memory_space<hbm>> -> memref<1x200x128xi32, #tpu.memory_space<hbm>>
      %dma_wait3A_64 = tpu.memref_squeeze %dma_wait3A_63 : memref<1x200x128xi32, #tpu.memory_space<hbm>> -> memref<200x128xi32, #tpu.memory_space<hbm>>
      %dma_wait3A_65 = arith.constant 0 : i32
      %dma_wait3A_66 = arith.constant 0 : i32
      %dma_wait3A_67 = tpu.memref_slice %arg2[%add3A, %dma_wait3A_65, %dma_wait3A_66] : memref<32x200x128xi32, #tpu.memory_space<hbm>> -> memref<1x200x128xi32, #tpu.memory_space<hbm>>
      %dma_wait3A_68 = tpu.memref_squeeze %dma_wait3A_67 : memref<1x200x128xi32, #tpu.memory_space<hbm>> -> memref<200x128xi32, #tpu.memory_space<hbm>>
      tpu.wait_dma2 semaphore(%run_scoped3A : memref<!tpu.dma_semaphore, #tpu.memory_space<semaphore_mem>>) src(%dma_wait3A_68 : memref<200x128xi32, #tpu.memory_space<hbm>>) dst(%arg5 : memref<200x128xi32, #tpu.memory_space<vmem>>)
      tpu.yield
    }) : () -> ()
    %dma_start3A = arith.constant 0 : i32
    %dma_start3A_3 = arith.constant 0 : i32
    %dma_start3A_4 = arith.constant 0 : i32
    %dma_start3A_5 = tpu.memref_slice %arg6[%dma_start3A_3, %dma_start3A_4] : memref<512x64xf32, #tpu.memory_space<vmem>> -> memref<128x64xf32, #tpu.memory_space<vmem>>
    %dma_start3A_6 = arith.constant 0 : i32
    %dma_start3A_7 = tpu.memref_slice %arg5[%dma_start3A, %dma_start3A_6] : memref<200x128xi32, #tpu.memory_space<vmem>> -> memref<1x128xi32, #tpu.memory_space<vmem>>
    %dma_start3A_8 = tpu.memref_squeeze %dma_start3A_7 : memref<1x128xi32, #tpu.memory_space<vmem>> -> memref<128xi32, #tpu.memory_space<vmem>>
    %dma_start3A_9 = arith.constant 0 : i32
    %dma_start3A_10 = arith.constant 0 : i32
    %dma_start3A_11 = tpu.memref_slice %arg3[%dma_start3A_9, %dma_start3A_10] : memref<1000000x64xf32, #tpu.memory_space<hbm>> -> memref<1000000x64xf32, #tpu.memory_space<hbm>>
    tpu.enqueue_indirect_dma source(%dma_start3A_11 : memref<1000000x64xf32, #tpu.memory_space<hbm>>) target(%dma_start3A_5 : memref<128x64xf32, #tpu.memory_space<vmem>>) offsets(%dma_start3A_8 : memref<128xi32, #tpu.memory_space<vmem>>) semaphore(%arg8 : memref<!tpu.dma_semaphore, #tpu.memory_space<semaphore_mem>>)
    %dma_start3A_12 = arith.constant 1 : i32
    %dma_start3A_13 = arith.constant 128 : i32
    %dma_start3A_14 = arith.constant 0 : i32
    %dma_start3A_15 = tpu.memref_slice %arg6[%dma_start3A_13, %dma_start3A_14] : memref<512x64xf32, #tpu.memory_space<vmem>> -> memref<128x64xf32, #tpu.memory_space<vmem>>
    %dma_start3A_16 = arith.constant 0 : i32
    %dma_start3A_17 = tpu.memref_slice %arg5[%dma_start3A_12, %dma_start3A_16] : memref<200x128xi32, #tpu.memory_space<vmem>> -> memref<1x128xi32, #tpu.memory_space<vmem>>
    %dma_start3A_18 = tpu.memref_squeeze %dma_start3A_17 : memref<1x128xi32, #tpu.memory_space<vmem>> -> memref<128xi32, #tpu.memory_space<vmem>>
    %dma_start3A_19 = arith.constant 0 : i32
    %dma_start3A_20 = arith.constant 0 : i32
    %dma_start3A_21 = tpu.memref_slice %arg3[%dma_start3A_19, %dma_start3A_20] : memref<1000000x64xf32, #tpu.memory_space<hbm>> -> memref<1000000x64xf32, #tpu.memory_space<hbm>>
    tpu.enqueue_indirect_dma source(%dma_start3A_21 : memref<1000000x64xf32, #tpu.memory_space<hbm>>) target(%dma_start3A_15 : memref<128x64xf32, #tpu.memory_space<vmem>>) offsets(%dma_start3A_18 : memref<128xi32, #tpu.memory_space<vmem>>) semaphore(%arg8 : memref<!tpu.dma_semaphore, #tpu.memory_space<semaphore_mem>>)
    %dma_start3A_22 = arith.constant 2 : i32
    %dma_start3A_23 = arith.constant 256 : i32
    %dma_start3A_24 = arith.constant 0 : i32
    %dma_start3A_25 = tpu.memref_slice %arg6[%dma_start3A_23, %dma_start3A_24] : memref<512x64xf32, #tpu.memory_space<vmem>> -> memref<128x64xf32, #tpu.memory_space<vmem>>
    %dma_start3A_26 = arith.constant 0 : i32
    %dma_start3A_27 = tpu.memref_slice %arg5[%dma_start3A_22, %dma_start3A_26] : memref<200x128xi32, #tpu.memory_space<vmem>> -> memref<1x128xi32, #tpu.memory_space<vmem>>
    %dma_start3A_28 = tpu.memref_squeeze %dma_start3A_27 : memref<1x128xi32, #tpu.memory_space<vmem>> -> memref<128xi32, #tpu.memory_space<vmem>>
    %dma_start3A_29 = arith.constant 0 : i32
    %dma_start3A_30 = arith.constant 0 : i32
    %dma_start3A_31 = tpu.memref_slice %arg3[%dma_start3A_29, %dma_start3A_30] : memref<1000000x64xf32, #tpu.memory_space<hbm>> -> memref<1000000x64xf32, #tpu.memory_space<hbm>>
    tpu.enqueue_indirect_dma source(%dma_start3A_31 : memref<1000000x64xf32, #tpu.memory_space<hbm>>) target(%dma_start3A_25 : memref<128x64xf32, #tpu.memory_space<vmem>>) offsets(%dma_start3A_28 : memref<128xi32, #tpu.memory_space<vmem>>) semaphore(%arg8 : memref<!tpu.dma_semaphore, #tpu.memory_space<semaphore_mem>>)
    %dma_start3A_32 = arith.constant 3 : i32
    %dma_start3A_33 = arith.constant 384 : i32
    %dma_start3A_34 = arith.constant 0 : i32
    %dma_start3A_35 = tpu.memref_slice %arg6[%dma_start3A_33, %dma_start3A_34] : memref<512x64xf32, #tpu.memory_space<vmem>> -> memref<128x64xf32, #tpu.memory_space<vmem>>
    %dma_start3A_36 = arith.constant 0 : i32
    %dma_start3A_37 = tpu.memref_slice %arg5[%dma_start3A_32, %dma_start3A_36] : memref<200x128xi32, #tpu.memory_space<vmem>> -> memref<1x128xi32, #tpu.memory_space<vmem>>
    %dma_start3A_38 = tpu.memref_squeeze %dma_start3A_37 : memref<1x128xi32, #tpu.memory_space<vmem>> -> memref<128xi32, #tpu.memory_space<vmem>>
    %dma_start3A_39 = arith.constant 0 : i32
    %dma_start3A_40 = arith.constant 0 : i32
    %dma_start3A_41 = tpu.memref_slice %arg3[%dma_start3A_39, %dma_start3A_40] : memref<1000000x64xf32, #tpu.memory_space<hbm>> -> memref<1000000x64xf32, #tpu.memory_space<hbm>>
    tpu.enqueue_indirect_dma source(%dma_start3A_41 : memref<1000000x64xf32, #tpu.memory_space<hbm>>) target(%dma_start3A_35 : memref<128x64xf32, #tpu.memory_space<vmem>>) offsets(%dma_start3A_38 : memref<128xi32, #tpu.memory_space<vmem>>) semaphore(%arg8 : memref<!tpu.dma_semaphore, #tpu.memory_space<semaphore_mem>>)
    %scan3A = arith.constant 0 : i32
    %scan3A_42 = arith.constant 0 : i32
    %scan3A_43 = arith.constant 25 : i32
    %scan3A_44 = arith.addi %scan3A_42, %scan3A_43 : i32
    %scan3A_45 = arith.constant 1 : i32
    %scan3A_46 = scf.for %scan3A_53 = %scan3A_42 to %scan3A_44 step %scan3A_45 iter_args(%scan3A_54 = %scan3A) -> (i32)  : i32 {
      %mul3A_55 = arith.constant 2 : i32
      %mul3A_56 = arith.muli %scan3A_53, %mul3A_55 : i32
      %add3A_57 = arith.constant 0 : i32
      %add3A_58 = arith.addi %mul3A_56, %add3A_57 : i32
      %gt3A = arith.constant 0 : i32
      %gt3A_59 = arith.cmpi sgt, %add3A_58, %gt3A : i32
      %convert_element_type3A = arith.extui %gt3A_59 : i1 to i32
      %cond3A = arith.constant 0 : i32
      %cond3A_60 = arith.cmpi ne, %convert_element_type3A, %cond3A : i32
      scf.if %cond3A_60 {
        %sub3A = arith.constant 1 : i32
        %sub3A_207 = arith.subi %add3A_58, %sub3A : i32
        %mul3A_208 = arith.constant 512 : i32
        %mul3A_209 = arith.muli %sub3A_207, %mul3A_208 : i32
        %add3A_210 = arith.addi %mul3A_2, %mul3A_209 : i32
        %dma_wait3A_211 = arith.constant 0 : i32
        %dma_wait3A_212 = tpu.memref_slice %arg4[%add3A_210, %dma_wait3A_211] : memref<819200x64xf32, #tpu.memory_space<hbm>> -> memref<512x64xf32, #tpu.memory_space<hbm>>
        %dma_wait3A_213 = arith.constant 0 : i32
        %dma_wait3A_214 = tpu.memref_slice %arg4[%add3A_210, %dma_wait3A_213] : memref<819200x64xf32, #tpu.memory_space<hbm>> -> memref<512x64xf32, #tpu.memory_space<hbm>>
        tpu.wait_dma2 semaphore(%arg11 : memref<!tpu.dma_semaphore, #tpu.memory_space<semaphore_mem>>) src(%arg7 : memref<512x64xf32, #tpu.memory_space<vmem>>) dst(%dma_wait3A_214 : memref<512x64xf32, #tpu.memory_space<hbm>>)
      } else {
      }
      %add3A_61 = arith.constant 1 : i32
      %add3A_62 = arith.addi %add3A_58, %add3A_61 : i32
      %lt3A = arith.constant 50 : i32
      %lt3A_63 = arith.cmpi slt, %add3A_62, %lt3A : i32
      %convert_element_type3A_64 = arith.extui %lt3A_63 : i1 to i32
      %cond3A_65 = arith.constant 0 : i32
      %cond3A_66 = arith.cmpi ne, %convert_element_type3A_64, %cond3A_65 : i32
      scf.if %cond3A_66 {
        %add3A_207 = arith.constant 1 : i32
        %add3A_208 = arith.addi %add3A_58, %add3A_207 : i32
        %mul3A_209 = arith.constant 4 : i32
        %mul3A_210 = arith.muli %add3A_208, %mul3A_209 : i32
        %add3A_211 = arith.constant 0 : i32
        %add3A_212 = arith.addi %mul3A_210, %add3A_211 : i32
        %dma_start3A_213 = arith.constant 0 : i32
        %dma_start3A_214 = arith.constant 0 : i32
        %dma_start3A_215 = tpu.memref_slice %arg7[%dma_start3A_213, %dma_start3A_214] : memref<512x64xf32, #tpu.memory_space<vmem>> -> memref<128x64xf32, #tpu.memory_space<vmem>>
        %dma_start3A_216 = arith.constant 0 : i32
        %dma_start3A_217 = tpu.memref_slice %arg5[%add3A_212, %dma_start3A_216] : memref<200x128xi32, #tpu.memory_space<vmem>> -> memref<1x128xi32, #tpu.memory_space<vmem>>
        %dma_start3A_218 = tpu.memref_squeeze %dma_start3A_217 : memref<1x128xi32, #tpu.memory_space<vmem>> -> memref<128xi32, #tpu.memory_space<vmem>>
        %dma_start3A_219 = arith.constant 0 : i32
        %dma_start3A_220 = arith.constant 0 : i32
        %dma_start3A_221 = tpu.memref_slice %arg3[%dma_start3A_219, %dma_start3A_220] : memref<1000000x64xf32, #tpu.memory_space<hbm>> -> memref<1000000x64xf32, #tpu.memory_space<hbm>>
        tpu.enqueue_indirect_dma source(%dma_start3A_221 : memref<1000000x64xf32, #tpu.memory_space<hbm>>) target(%dma_start3A_215 : memref<128x64xf32, #tpu.memory_space<vmem>>) offsets(%dma_start3A_218 : memref<128xi32, #tpu.memory_space<vmem>>) semaphore(%arg9 : memref<!tpu.dma_semaphore, #tpu.memory_space<semaphore_mem>>)
        %mul3A_222 = arith.constant 4 : i32
        %mul3A_223 = arith.muli %add3A_208, %mul3A_222 : i32
        %add3A_224 = arith.constant 1 : i32
        %add3A_225 = arith.addi %mul3A_223, %add3A_224 : i32
        %dma_start3A_226 = arith.constant 128 : i32
        %dma_start3A_227 = arith.constant 0 : i32
        %dma_start3A_228 = tpu.memref_slice %arg7[%dma_start3A_226, %dma_start3A_227] : memref<512x64xf32, #tpu.memory_space<vmem>> -> memref<128x64xf32, #tpu.memory_space<vmem>>
        %dma_start3A_229 = arith.constant 0 : i32
        %dma_start3A_230 = tpu.memref_slice %arg5[%add3A_225, %dma_start3A_229] : memref<200x128xi32, #tpu.memory_space<vmem>> -> memref<1x128xi32, #tpu.memory_space<vmem>>
        %dma_start3A_231 = tpu.memref_squeeze %dma_start3A_230 : memref<1x128xi32, #tpu.memory_space<vmem>> -> memref<128xi32, #tpu.memory_space<vmem>>
        %dma_start3A_232 = arith.constant 0 : i32
        %dma_start3A_233 = arith.constant 0 : i32
        %dma_start3A_234 = tpu.memref_slice %arg3[%dma_start3A_232, %dma_start3A_233] : memref<1000000x64xf32, #tpu.memory_space<hbm>> -> memref<1000000x64xf32, #tpu.memory_space<hbm>>
        tpu.enqueue_indirect_dma source(%dma_start3A_234 : memref<1000000x64xf32, #tpu.memory_space<hbm>>) target(%dma_start3A_228 : memref<128x64xf32, #tpu.memory_space<vmem>>) offsets(%dma_start3A_231 : memref<128xi32, #tpu.memory_space<vmem>>) semaphore(%arg9 : memref<!tpu.dma_semaphore, #tpu.memory_space<semaphore_mem>>)
        %mul3A_235 = arith.constant 4 : i32
        %mul3A_236 = arith.muli %add3A_208, %mul3A_235 : i32
        %add3A_237 = arith.constant 2 : i32
        %add3A_238 = arith.addi %mul3A_236, %add3A_237 : i32
        %dma_start3A_239 = arith.constant 256 : i32
        %dma_start3A_240 = arith.constant 0 : i32
        %dma_start3A_241 = tpu.memref_slice %arg7[%dma_start3A_239, %dma_start3A_240] : memref<512x64xf32, #tpu.memory_space<vmem>> -> memref<128x64xf32, #tpu.memory_space<vmem>>
        %dma_start3A_242 = arith.constant 0 : i32
        %dma_start3A_243 = tpu.memref_slice %arg5[%add3A_238, %dma_start3A_242] : memref<200x128xi32, #tpu.memory_space<vmem>> -> memref<1x128xi32, #tpu.memory_space<vmem>>
        %dma_start3A_244 = tpu.memref_squeeze %dma_start3A_243 : memref<1x128xi32, #tpu.memory_space<vmem>> -> memref<128xi32, #tpu.memory_space<vmem>>
        %dma_start3A_245 = arith.constant 0 : i32
        %dma_start3A_246 = arith.constant 0 : i32
        %dma_start3A_247 = tpu.memref_slice %arg3[%dma_start3A_245, %dma_start3A_246] : memref<1000000x64xf32, #tpu.memory_space<hbm>> -> memref<1000000x64xf32, #tpu.memory_space<hbm>>
        tpu.enqueue_indirect_dma source(%dma_start3A_247 : memref<1000000x64xf32, #tpu.memory_space<hbm>>) target(%dma_start3A_241 : memref<128x64xf32, #tpu.memory_space<vmem>>) offsets(%dma_start3A_244 : memref<128xi32, #tpu.memory_space<vmem>>) semaphore(%arg9 : memref<!tpu.dma_semaphore, #tpu.memory_space<semaphore_mem>>)
        %mul3A_248 = arith.constant 4 : i32
        %mul3A_249 = arith.muli %add3A_208, %mul3A_248 : i32
        %add3A_250 = arith.constant 3 : i32
        %add3A_251 = arith.addi %mul3A_249, %add3A_250 : i32
        %dma_start3A_252 = arith.constant 384 : i32
        %dma_start3A_253 = arith.constant 0 : i32
        %dma_start3A_254 = tpu.memref_slice %arg7[%dma_start3A_252, %dma_start3A_253] : memref<512x64xf32, #tpu.memory_space<vmem>> -> memref<128x64xf32, #tpu.memory_space<vmem>>
        %dma_start3A_255 = arith.constant 0 : i32
        %dma_start3A_256 = tpu.memref_slice %arg5[%add3A_251, %dma_start3A_255] : memref<200x128xi32, #tpu.memory_space<vmem>> -> memref<1x128xi32, #tpu.memory_space<vmem>>
        %dma_start3A_257 = tpu.memref_squeeze %dma_start3A_256 : memref<1x128xi32, #tpu.memory_space<vmem>> -> memref<128xi32, #tpu.memory_space<vmem>>
        %dma_start3A_258 = arith.constant 0 : i32
        %dma_start3A_259 = arith.constant 0 : i32
        %dma_start3A_260 = tpu.memref_slice %arg3[%dma_start3A_258, %dma_start3A_259] : memref<1000000x64xf32, #tpu.memory_space<hbm>> -> memref<1000000x64xf32, #tpu.memory_space<hbm>>
        tpu.enqueue_indirect_dma source(%dma_start3A_260 : memref<1000000x64xf32, #tpu.memory_space<hbm>>) target(%dma_start3A_254 : memref<128x64xf32, #tpu.memory_space<vmem>>) offsets(%dma_start3A_257 : memref<128xi32, #tpu.memory_space<vmem>>) semaphore(%arg9 : memref<!tpu.dma_semaphore, #tpu.memory_space<semaphore_mem>>)
      } else {
      }
      %mul3A_67 = arith.constant 4 : i32
      %mul3A_68 = arith.muli %add3A_58, %mul3A_67 : i32
      %add3A_69 = arith.constant 0 : i32
      %add3A_70 = arith.addi %mul3A_68, %add3A_69 : i32
      %dma_wait3A_71 = arith.constant 0 : i32
      %dma_wait3A_72 = arith.constant 0 : i32
      %dma_wait3A_73 = tpu.memref_slice %arg6[%dma_wait3A_71, %dma_wait3A_72] : memref<512x64xf32, #tpu.memory_space<vmem>> -> memref<128x64xf32, #tpu.memory_space<vmem>>
      %dma_wait3A_74 = arith.constant 0 : i32
      %dma_wait3A_75 = tpu.memref_slice %arg5[%add3A_70, %dma_wait3A_74] : memref<200x128xi32, #tpu.memory_space<vmem>> -> memref<1x128xi32, #tpu.memory_space<vmem>>
      %dma_wait3A_76 = tpu.memref_squeeze %dma_wait3A_75 : memref<1x128xi32, #tpu.memory_space<vmem>> -> memref<128xi32, #tpu.memory_space<vmem>>
      %dma_wait3A_77 = arith.constant 0 : i32
      %dma_wait3A_78 = arith.constant 0 : i32
      %dma_wait3A_79 = tpu.memref_slice %arg3[%dma_wait3A_77, %dma_wait3A_78] : memref<1000000x64xf32, #tpu.memory_space<hbm>> -> memref<1000000x64xf32, #tpu.memory_space<hbm>>
      tpu.wait_indirect_dma semaphore(%arg8 : memref<!tpu.dma_semaphore, #tpu.memory_space<semaphore_mem>>) src(%dma_wait3A_79 : memref<1000000x64xf32, #tpu.memory_space<hbm>>) dst(%dma_wait3A_73 : memref<128x64xf32, #tpu.memory_space<vmem>>)
      %mul3A_80 = arith.constant 4 : i32
      %mul3A_81 = arith.muli %add3A_58, %mul3A_80 : i32
      %add3A_82 = arith.constant 1 : i32
      %add3A_83 = arith.addi %mul3A_81, %add3A_82 : i32
      %dma_wait3A_84 = arith.constant 128 : i32
      %dma_wait3A_85 = arith.constant 0 : i32
      %dma_wait3A_86 = tpu.memref_slice %arg6[%dma_wait3A_84, %dma_wait3A_85] : memref<512x64xf32, #tpu.memory_space<vmem>> -> memref<128x64xf32, #tpu.memory_space<vmem>>
      %dma_wait3A_87 = arith.constant 0 : i32
      %dma_wait3A_88 = tpu.memref_slice %arg5[%add3A_83, %dma_wait3A_87] : memref<200x128xi32, #tpu.memory_space<vmem>> -> memref<1x128xi32, #tpu.memory_space<vmem>>
      %dma_wait3A_89 = tpu.memref_squeeze %dma_wait3A_88 : memref<1x128xi32, #tpu.memory_space<vmem>> -> memref<128xi32, #tpu.memory_space<vmem>>
      %dma_wait3A_90 = arith.constant 0 : i32
      %dma_wait3A_91 = arith.constant 0 : i32
      %dma_wait3A_92 = tpu.memref_slice %arg3[%dma_wait3A_90, %dma_wait3A_91] : memref<1000000x64xf32, #tpu.memory_space<hbm>> -> memref<1000000x64xf32, #tpu.memory_space<hbm>>
      tpu.wait_indirect_dma semaphore(%arg8 : memref<!tpu.dma_semaphore, #tpu.memory_space<semaphore_mem>>) src(%dma_wait3A_92 : memref<1000000x64xf32, #tpu.memory_space<hbm>>) dst(%dma_wait3A_86 : memref<128x64xf32, #tpu.memory_space<vmem>>)
      %mul3A_93 = arith.constant 4 : i32
      %mul3A_94 = arith.muli %add3A_58, %mul3A_93 : i32
      %add3A_95 = arith.constant 2 : i32
      %add3A_96 = arith.addi %mul3A_94, %add3A_95 : i32
      %dma_wait3A_97 = arith.constant 256 : i32
      %dma_wait3A_98 = arith.constant 0 : i32
      %dma_wait3A_99 = tpu.memref_slice %arg6[%dma_wait3A_97, %dma_wait3A_98] : memref<512x64xf32, #tpu.memory_space<vmem>> -> memref<128x64xf32, #tpu.memory_space<vmem>>
      %dma_wait3A_100 = arith.constant 0 : i32
      %dma_wait3A_101 = tpu.memref_slice %arg5[%add3A_96, %dma_wait3A_100] : memref<200x128xi32, #tpu.memory_space<vmem>> -> memref<1x128xi32, #tpu.memory_space<vmem>>
      %dma_wait3A_102 = tpu.memref_squeeze %dma_wait3A_101 : memref<1x128xi32, #tpu.memory_space<vmem>> -> memref<128xi32, #tpu.memory_space<vmem>>
      %dma_wait3A_103 = arith.constant 0 : i32
      %dma_wait3A_104 = arith.constant 0 : i32
      %dma_wait3A_105 = tpu.memref_slice %arg3[%dma_wait3A_103, %dma_wait3A_104] : memref<1000000x64xf32, #tpu.memory_space<hbm>> -> memref<1000000x64xf32, #tpu.memory_space<hbm>>
      tpu.wait_indirect_dma semaphore(%arg8 : memref<!tpu.dma_semaphore, #tpu.memory_space<semaphore_mem>>) src(%dma_wait3A_105 : memref<1000000x64xf32, #tpu.memory_space<hbm>>) dst(%dma_wait3A_99 : memref<128x64xf32, #tpu.memory_space<vmem>>)
      %mul3A_106 = arith.constant 4 : i32
      %mul3A_107 = arith.muli %add3A_58, %mul3A_106 : i32
      %add3A_108 = arith.constant 3 : i32
      %add3A_109 = arith.addi %mul3A_107, %add3A_108 : i32
      %dma_wait3A_110 = arith.constant 384 : i32
      %dma_wait3A_111 = arith.constant 0 : i32
      %dma_wait3A_112 = tpu.memref_slice %arg6[%dma_wait3A_110, %dma_wait3A_111] : memref<512x64xf32, #tpu.memory_space<vmem>> -> memref<128x64xf32, #tpu.memory_space<vmem>>
      %dma_wait3A_113 = arith.constant 0 : i32
      %dma_wait3A_114 = tpu.memref_slice %arg5[%add3A_109, %dma_wait3A_113] : memref<200x128xi32, #tpu.memory_space<vmem>> -> memref<1x128xi32, #tpu.memory_space<vmem>>
      %dma_wait3A_115 = tpu.memref_squeeze %dma_wait3A_114 : memref<1x128xi32, #tpu.memory_space<vmem>> -> memref<128xi32, #tpu.memory_space<vmem>>
      %dma_wait3A_116 = arith.constant 0 : i32
      %dma_wait3A_117 = arith.constant 0 : i32
      %dma_wait3A_118 = tpu.memref_slice %arg3[%dma_wait3A_116, %dma_wait3A_117] : memref<1000000x64xf32, #tpu.memory_space<hbm>> -> memref<1000000x64xf32, #tpu.memory_space<hbm>>
      tpu.wait_indirect_dma semaphore(%arg8 : memref<!tpu.dma_semaphore, #tpu.memory_space<semaphore_mem>>) src(%dma_wait3A_118 : memref<1000000x64xf32, #tpu.memory_space<hbm>>) dst(%dma_wait3A_112 : memref<128x64xf32, #tpu.memory_space<vmem>>)
      %parallel_loop3A = arith.constant 0 : i32
      %parallel_loop3A_119 = arith.constant 512 : i32
      %parallel_loop3A_120 = arith.constant 1 : i32
      scf.for %parallel_loop3A_207 = %parallel_loop3A to %parallel_loop3A_119 step %parallel_loop3A_120  : i32 {
        %parallel_loop3A_208 = arith.index_cast %parallel_loop3A_207 : i32 to index
        %parallel_loop3A_209 = arith.constant 0 : index
        %parallel_loop3A_210 = tpu.vector_load %arg6[%parallel_loop3A_208, %parallel_loop3A_209] {strides = array<i32>} : memref<512x64xf32, #tpu.memory_space<vmem>>, vector<1x16xf32>,
        %parallel_loop3A_211 = vector.shape_cast %parallel_loop3A_210 : vector<1x16xf32> to vector<16xf32>
        %parallel_loop3A_212 = arith.constant 8.000000e+00 : f32
        %parallel_loop3A_213 = vector.broadcast %parallel_loop3A_212 : f32 to vector<16xf32>
        %parallel_loop3A_214 = arith.mulf %parallel_loop3A_211, %parallel_loop3A_213 : vector<16xf32>
        %parallel_loop3A_215 = arith.index_cast %parallel_loop3A_207 : i32 to index
        %parallel_loop3A_216 = arith.constant 0 : index
        %parallel_loop3A_217 = tpu.vector_load %arg6[%parallel_loop3A_215, %parallel_loop3A_216] {strides = array<i32>} : memref<512x64xf32, #tpu.memory_space<vmem>>, vector<1x16xf32>,
        %parallel_loop3A_218 = vector.shape_cast %parallel_loop3A_217 : vector<1x16xf32> to vector<16xf32>
        %parallel_loop3A_219 = vector.shape_cast %parallel_loop3A_214 : vector<16xf32> to vector<1x16xf32>
        tpu.vector_store %arg6[%parallel_loop3A_215, %parallel_loop3A_216], %parallel_loop3A_219 {strides = array<i32>} : memref<512x64xf32, #tpu.memory_space<vmem>>, vector<1x16xf32>,
        %parallel_loop3A_220 = arith.index_cast %parallel_loop3A_207 : i32 to index
        %parallel_loop3A_221 = arith.constant 16 : index
        %parallel_loop3A_222 = tpu.vector_load %arg6[%parallel_loop3A_220, %parallel_loop3A_221] {strides = array<i32>} : memref<512x64xf32, #tpu.memory_space<vmem>>, vector<1x16xf32>,
        %parallel_loop3A_223 = vector.shape_cast %parallel_loop3A_222 : vector<1x16xf32> to vector<16xf32>
        %parallel_loop3A_224 = arith.constant 8.000000e+00 : f32
        %parallel_loop3A_225 = vector.broadcast %parallel_loop3A_224 : f32 to vector<16xf32>
        %parallel_loop3A_226 = arith.mulf %parallel_loop3A_223, %parallel_loop3A_225 : vector<16xf32>
        %parallel_loop3A_227 = arith.index_cast %parallel_loop3A_207 : i32 to index
        %parallel_loop3A_228 = arith.constant 16 : index
        %parallel_loop3A_229 = tpu.vector_load %arg6[%parallel_loop3A_227, %parallel_loop3A_228] {strides = array<i32>} : memref<512x64xf32, #tpu.memory_space<vmem>>, vector<1x16xf32>,
        %parallel_loop3A_230 = vector.shape_cast %parallel_loop3A_229 : vector<1x16xf32> to vector<16xf32>
        %parallel_loop3A_231 = vector.shape_cast %parallel_loop3A_226 : vector<16xf32> to vector<1x16xf32>
        tpu.vector_store %arg6[%parallel_loop3A_227, %parallel_loop3A_228], %parallel_loop3A_231 {strides = array<i32>} : memref<512x64xf32, #tpu.memory_space<vmem>>, vector<1x16xf32>,
        %parallel_loop3A_232 = arith.index_cast %parallel_loop3A_207 : i32 to index
        %parallel_loop3A_233 = arith.constant 32 : index
        %parallel_loop3A_234 = tpu.vector_load %arg6[%parallel_loop3A_232, %parallel_loop3A_233] {strides = array<i32>} : memref<512x64xf32, #tpu.memory_space<vmem>>, vector<1x16xf32>,
        %parallel_loop3A_235 = vector.shape_cast %parallel_loop3A_234 : vector<1x16xf32> to vector<16xf32>
        %parallel_loop3A_236 = arith.constant 8.000000e+00 : f32
        %parallel_loop3A_237 = vector.broadcast %parallel_loop3A_236 : f32 to vector<16xf32>
        %parallel_loop3A_238 = arith.mulf %parallel_loop3A_235, %parallel_loop3A_237 : vector<16xf32>
        %parallel_loop3A_239 = arith.index_cast %parallel_loop3A_207 : i32 to index
        %parallel_loop3A_240 = arith.constant 32 : index
        %parallel_loop3A_241 = tpu.vector_load %arg6[%parallel_loop3A_239, %parallel_loop3A_240] {strides = array<i32>} : memref<512x64xf32, #tpu.memory_space<vmem>>, vector<1x16xf32>,
        %parallel_loop3A_242 = vector.shape_cast %parallel_loop3A_241 : vector<1x16xf32> to vector<16xf32>
        %parallel_loop3A_243 = vector.shape_cast %parallel_loop3A_238 : vector<16xf32> to vector<1x16xf32>
        tpu.vector_store %arg6[%parallel_loop3A_239, %parallel_loop3A_240], %parallel_loop3A_243 {strides = array<i32>} : memref<512x64xf32, #tpu.memory_space<vmem>>, vector<1x16xf32>,
        %parallel_loop3A_244 = arith.index_cast %parallel_loop3A_207 : i32 to index
        %parallel_loop3A_245 = arith.constant 48 : index
        %parallel_loop3A_246 = tpu.vector_load %arg6[%parallel_loop3A_244, %parallel_loop3A_245] {strides = array<i32>} : memref<512x64xf32, #tpu.memory_space<vmem>>, vector<1x16xf32>,
        %parallel_loop3A_247 = vector.shape_cast %parallel_loop3A_246 : vector<1x16xf32> to vector<16xf32>
        %parallel_loop3A_248 = arith.constant 8.000000e+00 : f32
        %parallel_loop3A_249 = vector.broadcast %parallel_loop3A_248 : f32 to vector<16xf32>
        %parallel_loop3A_250 = arith.mulf %parallel_loop3A_247, %parallel_loop3A_249 : vector<16xf32>
        %parallel_loop3A_251 = arith.index_cast %parallel_loop3A_207 : i32 to index
        %parallel_loop3A_252 = arith.constant 48 : index
        %parallel_loop3A_253 = tpu.vector_load %arg6[%parallel_loop3A_251, %parallel_loop3A_252] {strides = array<i32>} : memref<512x64xf32, #tpu.memory_space<vmem>>, vector<1x16xf32>,
        %parallel_loop3A_254 = vector.shape_cast %parallel_loop3A_253 : vector<1x16xf32> to vector<16xf32>
        %parallel_loop3A_255 = vector.shape_cast %parallel_loop3A_250 : vector<16xf32> to vector<1x16xf32>
        tpu.vector_store %arg6[%parallel_loop3A_251, %parallel_loop3A_252], %parallel_loop3A_255 {strides = array<i32>} : memref<512x64xf32, #tpu.memory_space<vmem>>, vector<1x16xf32>,
      } {sc.loop_unroll_factor = 8 : i64, sc.parallel_access}
      %mul3A_121 = arith.constant 512 : i32
      %mul3A_122 = arith.muli %add3A_58, %mul3A_121 : i32
      %add3A_123 = arith.addi %mul3A_2, %mul3A_122 : i32
      %dma_start3A_124 = arith.constant 0 : i32
      %dma_start3A_125 = tpu.memref_slice %arg4[%add3A_123, %dma_start3A_124] : memref<819200x64xf32, #tpu.memory_space<hbm>> -> memref<512x64xf32, #tpu.memory_space<hbm>>
      %dma_start3A_126 = arith.constant 0 : i32
      %dma_start3A_127 = tpu.memref_slice %arg4[%add3A_123, %dma_start3A_126] : memref<819200x64xf32, #tpu.memory_space<hbm>> -> memref<512x64xf32, #tpu.memory_space<hbm>>
      tpu.enqueue_dma source(%arg6 : memref<512x64xf32, #tpu.memory_space<vmem>>) target(%dma_start3A_127 : memref<512x64xf32, #tpu.memory_space<hbm>>) target_semaphore(%arg10 : memref<!tpu.dma_semaphore, #tpu.memory_space<semaphore_mem>>)
      %mul3A_128 = arith.constant 2 : i32
      %mul3A_129 = arith.muli %scan3A_53, %mul3A_128 : i32
      %add3A_130 = arith.constant 1 : i32
      %add3A_131 = arith.addi %mul3A_129, %add3A_130 : i32
      %gt3A_132 = arith.constant 0 : i32
      %gt3A_133 = arith.cmpi sgt, %add3A_131, %gt3A_132 : i32
      %convert_element_type3A_134 = arith.extui %gt3A_133 : i1 to i32
      %cond3A_135 = arith.constant 0 : i32
      %cond3A_136 = arith.cmpi ne, %convert_element_type3A_134, %cond3A_135 : i32
      scf.if %cond3A_136 {
        %sub3A = arith.constant 1 : i32
        %sub3A_207 = arith.subi %add3A_131, %sub3A : i32
        %mul3A_208 = arith.constant 512 : i32
        %mul3A_209 = arith.muli %sub3A_207, %mul3A_208 : i32
        %add3A_210 = arith.addi %mul3A_2, %mul3A_209 : i32
        %dma_wait3A_211 = arith.constant 0 : i32
        %dma_wait3A_212 = tpu.memref_slice %arg4[%add3A_210, %dma_wait3A_211] : memref<819200x64xf32, #tpu.memory_space<hbm>> -> memref<512x64xf32, #tpu.memory_space<hbm>>
        %dma_wait3A_213 = arith.constant 0 : i32
        %dma_wait3A_214 = tpu.memref_slice %arg4[%add3A_210, %dma_wait3A_213] : memref<819200x64xf32, #tpu.memory_space<hbm>> -> memref<512x64xf32, #tpu.memory_space<hbm>>
        tpu.wait_dma2 semaphore(%arg10 : memref<!tpu.dma_semaphore, #tpu.memory_space<semaphore_mem>>) src(%arg6 : memref<512x64xf32, #tpu.memory_space<vmem>>) dst(%dma_wait3A_214 : memref<512x64xf32, #tpu.memory_space<hbm>>)
      } else {
      }
      %add3A_137 = arith.constant 1 : i32
      %add3A_138 = arith.addi %add3A_131, %add3A_137 : i32
      %lt3A_139 = arith.constant 50 : i32
      %lt3A_140 = arith.cmpi slt, %add3A_138, %lt3A_139 : i32
      %convert_element_type3A_141 = arith.extui %lt3A_140 : i1 to i32
      %cond3A_142 = arith.constant 0 : i32
      %cond3A_143 = arith.cmpi ne, %convert_element_type3A_141, %cond3A_142 : i32
      scf.if %cond3A_143 {
        %add3A_207 = arith.constant 1 : i32
        %add3A_208 = arith.addi %add3A_131, %add3A_207 : i32
        %mul3A_209 = arith.constant 4 : i32
        %mul3A_210 = arith.muli %add3A_208, %mul3A_209 : i32
        %add3A_211 = arith.constant 0 : i32
        %add3A_212 = arith.addi %mul3A_210, %add3A_211 : i32
        %dma_start3A_213 = arith.constant 0 : i32
        %dma_start3A_214 = arith.constant 0 : i32
        %dma_start3A_215 = tpu.memref_slice %arg6[%dma_start3A_213, %dma_start3A_214] : memref<512x64xf32, #tpu.memory_space<vmem>> -> memref<128x64xf32, #tpu.memory_space<vmem>>
        %dma_start3A_216 = arith.constant 0 : i32
        %dma_start3A_217 = tpu.memref_slice %arg5[%add3A_212, %dma_start3A_216] : memref<200x128xi32, #tpu.memory_space<vmem>> -> memref<1x128xi32, #tpu.memory_space<vmem>>
        %dma_start3A_218 = tpu.memref_squeeze %dma_start3A_217 : memref<1x128xi32, #tpu.memory_space<vmem>> -> memref<128xi32, #tpu.memory_space<vmem>>
        %dma_start3A_219 = arith.constant 0 : i32
        %dma_start3A_220 = arith.constant 0 : i32
        %dma_start3A_221 = tpu.memref_slice %arg3[%dma_start3A_219, %dma_start3A_220] : memref<1000000x64xf32, #tpu.memory_space<hbm>> -> memref<1000000x64xf32, #tpu.memory_space<hbm>>
        tpu.enqueue_indirect_dma source(%dma_start3A_221 : memref<1000000x64xf32, #tpu.memory_space<hbm>>) target(%dma_start3A_215 : memref<128x64xf32, #tpu.memory_space<vmem>>) offsets(%dma_start3A_218 : memref<128xi32, #tpu.memory_space<vmem>>) semaphore(%arg8 : memref<!tpu.dma_semaphore, #tpu.memory_space<semaphore_mem>>)
        %mul3A_222 = arith.constant 4 : i32
        %mul3A_223 = arith.muli %add3A_208, %mul3A_222 : i32
        %add3A_224 = arith.constant 1 : i32
        %add3A_225 = arith.addi %mul3A_223, %add3A_224 : i32
        %dma_start3A_226 = arith.constant 128 : i32
        %dma_start3A_227 = arith.constant 0 : i32
        %dma_start3A_228 = tpu.memref_slice %arg6[%dma_start3A_226, %dma_start3A_227] : memref<512x64xf32, #tpu.memory_space<vmem>> -> memref<128x64xf32, #tpu.memory_space<vmem>>
        %dma_start3A_229 = arith.constant 0 : i32
        %dma_start3A_230 = tpu.memref_slice %arg5[%add3A_225, %dma_start3A_229] : memref<200x128xi32, #tpu.memory_space<vmem>> -> memref<1x128xi32, #tpu.memory_space<vmem>>
        %dma_start3A_231 = tpu.memref_squeeze %dma_start3A_230 : memref<1x128xi32, #tpu.memory_space<vmem>> -> memref<128xi32, #tpu.memory_space<vmem>>
        %dma_start3A_232 = arith.constant 0 : i32
        %dma_start3A_233 = arith.constant 0 : i32
        %dma_start3A_234 = tpu.memref_slice %arg3[%dma_start3A_232, %dma_start3A_233] : memref<1000000x64xf32, #tpu.memory_space<hbm>> -> memref<1000000x64xf32, #tpu.memory_space<hbm>>
        tpu.enqueue_indirect_dma source(%dma_start3A_234 : memref<1000000x64xf32, #tpu.memory_space<hbm>>) target(%dma_start3A_228 : memref<128x64xf32, #tpu.memory_space<vmem>>) offsets(%dma_start3A_231 : memref<128xi32, #tpu.memory_space<vmem>>) semaphore(%arg8 : memref<!tpu.dma_semaphore, #tpu.memory_space<semaphore_mem>>)
        %mul3A_235 = arith.constant 4 : i32
        %mul3A_236 = arith.muli %add3A_208, %mul3A_235 : i32
        %add3A_237 = arith.constant 2 : i32
        %add3A_238 = arith.addi %mul3A_236, %add3A_237 : i32
        %dma_start3A_239 = arith.constant 256 : i32
        %dma_start3A_240 = arith.constant 0 : i32
        %dma_start3A_241 = tpu.memref_slice %arg6[%dma_start3A_239, %dma_start3A_240] : memref<512x64xf32, #tpu.memory_space<vmem>> -> memref<128x64xf32, #tpu.memory_space<vmem>>
        %dma_start3A_242 = arith.constant 0 : i32
        %dma_start3A_243 = tpu.memref_slice %arg5[%add3A_238, %dma_start3A_242] : memref<200x128xi32, #tpu.memory_space<vmem>> -> memref<1x128xi32, #tpu.memory_space<vmem>>
        %dma_start3A_244 = tpu.memref_squeeze %dma_start3A_243 : memref<1x128xi32, #tpu.memory_space<vmem>> -> memref<128xi32, #tpu.memory_space<vmem>>
        %dma_start3A_245 = arith.constant 0 : i32
        %dma_start3A_246 = arith.constant 0 : i32
        %dma_start3A_247 = tpu.memref_slice %arg3[%dma_start3A_245, %dma_start3A_246] : memref<1000000x64xf32, #tpu.memory_space<hbm>> -> memref<1000000x64xf32, #tpu.memory_space<hbm>>
        tpu.enqueue_indirect_dma source(%dma_start3A_247 : memref<1000000x64xf32, #tpu.memory_space<hbm>>) target(%dma_start3A_241 : memref<128x64xf32, #tpu.memory_space<vmem>>) offsets(%dma_start3A_244 : memref<128xi32, #tpu.memory_space<vmem>>) semaphore(%arg8 : memref<!tpu.dma_semaphore, #tpu.memory_space<semaphore_mem>>)
        %mul3A_248 = arith.constant 4 : i32
        %mul3A_249 = arith.muli %add3A_208, %mul3A_248 : i32
        %add3A_250 = arith.constant 3 : i32
        %add3A_251 = arith.addi %mul3A_249, %add3A_250 : i32
        %dma_start3A_252 = arith.constant 384 : i32
        %dma_start3A_253 = arith.constant 0 : i32
        %dma_start3A_254 = tpu.memref_slice %arg6[%dma_start3A_252, %dma_start3A_253] : memref<512x64xf32, #tpu.memory_space<vmem>> -> memref<128x64xf32, #tpu.memory_space<vmem>>
        %dma_start3A_255 = arith.constant 0 : i32
        %dma_start3A_256 = tpu.memref_slice %arg5[%add3A_251, %dma_start3A_255] : memref<200x128xi32, #tpu.memory_space<vmem>> -> memref<1x128xi32, #tpu.memory_space<vmem>>
        %dma_start3A_257 = tpu.memref_squeeze %dma_start3A_256 : memref<1x128xi32, #tpu.memory_space<vmem>> -> memref<128xi32, #tpu.memory_space<vmem>>
        %dma_start3A_258 = arith.constant 0 : i32
        %dma_start3A_259 = arith.constant 0 : i32
        %dma_start3A_260 = tpu.memref_slice %arg3[%dma_start3A_258, %dma_start3A_259] : memref<1000000x64xf32, #tpu.memory_space<hbm>> -> memref<1000000x64xf32, #tpu.memory_space<hbm>>
        tpu.enqueue_indirect_dma source(%dma_start3A_260 : memref<1000000x64xf32, #tpu.memory_space<hbm>>) target(%dma_start3A_254 : memref<128x64xf32, #tpu.memory_space<vmem>>) offsets(%dma_start3A_257 : memref<128xi32, #tpu.memory_space<vmem>>) semaphore(%arg8 : memref<!tpu.dma_semaphore, #tpu.memory_space<semaphore_mem>>)
      } else {
      }
      %mul3A_144 = arith.constant 4 : i32
      %mul3A_145 = arith.muli %add3A_131, %mul3A_144 : i32
      %add3A_146 = arith.constant 0 : i32
      %add3A_147 = arith.addi %mul3A_145, %add3A_146 : i32
      %dma_wait3A_148 = arith.constant 0 : i32
      %dma_wait3A_149 = arith.constant 0 : i32
      %dma_wait3A_150 = tpu.memref_slice %arg7[%dma_wait3A_148, %dma_wait3A_149] : memref<512x64xf32, #tpu.memory_space<vmem>> -> memref<128x64xf32, #tpu.memory_space<vmem>>
      %dma_wait3A_151 = arith.constant 0 : i32
      %dma_wait3A_152 = tpu.memref_slice %arg5[%add3A_147, %dma_wait3A_151] : memref<200x128xi32, #tpu.memory_space<vmem>> -> memref<1x128xi32, #tpu.memory_space<vmem>>
      %dma_wait3A_153 = tpu.memref_squeeze %dma_wait3A_152 : memref<1x128xi32, #tpu.memory_space<vmem>> -> memref<128xi32, #tpu.memory_space<vmem>>
      %dma_wait3A_154 = arith.constant 0 : i32
      %dma_wait3A_155 = arith.constant 0 : i32
      %dma_wait3A_156 = tpu.memref_slice %arg3[%dma_wait3A_154, %dma_wait3A_155] : memref<1000000x64xf32, #tpu.memory_space<hbm>> -> memref<1000000x64xf32, #tpu.memory_space<hbm>>
      tpu.wait_indirect_dma semaphore(%arg9 : memref<!tpu.dma_semaphore, #tpu.memory_space<semaphore_mem>>) src(%dma_wait3A_156 : memref<1000000x64xf32, #tpu.memory_space<hbm>>) dst(%dma_wait3A_150 : memref<128x64xf32, #tpu.memory_space<vmem>>)
      %mul3A_157 = arith.constant 4 : i32
      %mul3A_158 = arith.muli %add3A_131, %mul3A_157 : i32
      %add3A_159 = arith.constant 1 : i32
      %add3A_160 = arith.addi %mul3A_158, %add3A_159 : i32
      %dma_wait3A_161 = arith.constant 128 : i32
      %dma_wait3A_162 = arith.constant 0 : i32
      %dma_wait3A_163 = tpu.memref_slice %arg7[%dma_wait3A_161, %dma_wait3A_162] : memref<512x64xf32, #tpu.memory_space<vmem>> -> memref<128x64xf32, #tpu.memory_space<vmem>>
      %dma_wait3A_164 = arith.constant 0 : i32
      %dma_wait3A_165 = tpu.memref_slice %arg5[%add3A_160, %dma_wait3A_164] : memref<200x128xi32, #tpu.memory_space<vmem>> -> memref<1x128xi32, #tpu.memory_space<vmem>>
      %dma_wait3A_166 = tpu.memref_squeeze %dma_wait3A_165 : memref<1x128xi32, #tpu.memory_space<vmem>> -> memref<128xi32, #tpu.memory_space<vmem>>
      %dma_wait3A_167 = arith.constant 0 : i32
      %dma_wait3A_168 = arith.constant 0 : i32
      %dma_wait3A_169 = tpu.memref_slice %arg3[%dma_wait3A_167, %dma_wait3A_168] : memref<1000000x64xf32, #tpu.memory_space<hbm>> -> memref<1000000x64xf32, #tpu.memory_space<hbm>>
      tpu.wait_indirect_dma semaphore(%arg9 : memref<!tpu.dma_semaphore, #tpu.memory_space<semaphore_mem>>) src(%dma_wait3A_169 : memref<1000000x64xf32, #tpu.memory_space<hbm>>) dst(%dma_wait3A_163 : memref<128x64xf32, #tpu.memory_space<vmem>>)
      %mul3A_170 = arith.constant 4 : i32
      %mul3A_171 = arith.muli %add3A_131, %mul3A_170 : i32
      %add3A_172 = arith.constant 2 : i32
      %add3A_173 = arith.addi %mul3A_171, %add3A_172 : i32
      %dma_wait3A_174 = arith.constant 256 : i32
      %dma_wait3A_175 = arith.constant 0 : i32
      %dma_wait3A_176 = tpu.memref_slice %arg7[%dma_wait3A_174, %dma_wait3A_175] : memref<512x64xf32, #tpu.memory_space<vmem>> -> memref<128x64xf32, #tpu.memory_space<vmem>>
      %dma_wait3A_177 = arith.constant 0 : i32
      %dma_wait3A_178 = tpu.memref_slice %arg5[%add3A_173, %dma_wait3A_177] : memref<200x128xi32, #tpu.memory_space<vmem>> -> memref<1x128xi32, #tpu.memory_space<vmem>>
      %dma_wait3A_179 = tpu.memref_squeeze %dma_wait3A_178 : memref<1x128xi32, #tpu.memory_space<vmem>> -> memref<128xi32, #tpu.memory_space<vmem>>
      %dma_wait3A_180 = arith.constant 0 : i32
      %dma_wait3A_181 = arith.constant 0 : i32
      %dma_wait3A_182 = tpu.memref_slice %arg3[%dma_wait3A_180, %dma_wait3A_181] : memref<1000000x64xf32, #tpu.memory_space<hbm>> -> memref<1000000x64xf32, #tpu.memory_space<hbm>>
      tpu.wait_indirect_dma semaphore(%arg9 : memref<!tpu.dma_semaphore, #tpu.memory_space<semaphore_mem>>) src(%dma_wait3A_182 : memref<1000000x64xf32, #tpu.memory_space<hbm>>) dst(%dma_wait3A_176 : memref<128x64xf32, #tpu.memory_space<vmem>>)
      %mul3A_183 = arith.constant 4 : i32
      %mul3A_184 = arith.muli %add3A_131, %mul3A_183 : i32
      %add3A_185 = arith.constant 3 : i32
      %add3A_186 = arith.addi %mul3A_184, %add3A_185 : i32
      %dma_wait3A_187 = arith.constant 384 : i32
      %dma_wait3A_188 = arith.constant 0 : i32
      %dma_wait3A_189 = tpu.memref_slice %arg7[%dma_wait3A_187, %dma_wait3A_188] : memref<512x64xf32, #tpu.memory_space<vmem>> -> memref<128x64xf32, #tpu.memory_space<vmem>>
      %dma_wait3A_190 = arith.constant 0 : i32
      %dma_wait3A_191 = tpu.memref_slice %arg5[%add3A_186, %dma_wait3A_190] : memref<200x128xi32, #tpu.memory_space<vmem>> -> memref<1x128xi32, #tpu.memory_space<vmem>>
      %dma_wait3A_192 = tpu.memref_squeeze %dma_wait3A_191 : memref<1x128xi32, #tpu.memory_space<vmem>> -> memref<128xi32, #tpu.memory_space<vmem>>
      %dma_wait3A_193 = arith.constant 0 : i32
      %dma_wait3A_194 = arith.constant 0 : i32
      %dma_wait3A_195 = tpu.memref_slice %arg3[%dma_wait3A_193, %dma_wait3A_194] : memref<1000000x64xf32, #tpu.memory_space<hbm>> -> memref<1000000x64xf32, #tpu.memory_space<hbm>>
      tpu.wait_indirect_dma semaphore(%arg9 : memref<!tpu.dma_semaphore, #tpu.memory_space<semaphore_mem>>) src(%dma_wait3A_195 : memref<1000000x64xf32, #tpu.memory_space<hbm>>) dst(%dma_wait3A_189 : memref<128x64xf32, #tpu.memory_space<vmem>>)
      %parallel_loop3A_196 = arith.constant 0 : i32
      %parallel_loop3A_197 = arith.constant 512 : i32
      %parallel_loop3A_198 = arith.constant 1 : i32
      scf.for %parallel_loop3A_207 = %parallel_loop3A_196 to %parallel_loop3A_197 step %parallel_loop3A_198  : i32 {
        %parallel_loop3A_208 = arith.index_cast %parallel_loop3A_207 : i32 to index
        %parallel_loop3A_209 = arith.constant 0 : index
        %parallel_loop3A_210 = tpu.vector_load %arg7[%parallel_loop3A_208, %parallel_loop3A_209] {strides = array<i32>} : memref<512x64xf32, #tpu.memory_space<vmem>>, vector<1x16xf32>,
        %parallel_loop3A_211 = vector.shape_cast %parallel_loop3A_210 : vector<1x16xf32> to vector<16xf32>
        %parallel_loop3A_212 = arith.constant 8.000000e+00 : f32
        %parallel_loop3A_213 = vector.broadcast %parallel_loop3A_212 : f32 to vector<16xf32>
        %parallel_loop3A_214 = arith.mulf %parallel_loop3A_211, %parallel_loop3A_213 : vector<16xf32>
        %parallel_loop3A_215 = arith.index_cast %parallel_loop3A_207 : i32 to index
        %parallel_loop3A_216 = arith.constant 0 : index
        %parallel_loop3A_217 = tpu.vector_load %arg7[%parallel_loop3A_215, %parallel_loop3A_216] {strides = array<i32>} : memref<512x64xf32, #tpu.memory_space<vmem>>, vector<1x16xf32>,
        %parallel_loop3A_218 = vector.shape_cast %parallel_loop3A_217 : vector<1x16xf32> to vector<16xf32>
        %parallel_loop3A_219 = vector.shape_cast %parallel_loop3A_214 : vector<16xf32> to vector<1x16xf32>
        tpu.vector_store %arg7[%parallel_loop3A_215, %parallel_loop3A_216], %parallel_loop3A_219 {strides = array<i32>} : memref<512x64xf32, #tpu.memory_space<vmem>>, vector<1x16xf32>,
        %parallel_loop3A_220 = arith.index_cast %parallel_loop3A_207 : i32 to index
        %parallel_loop3A_221 = arith.constant 16 : index
        %parallel_loop3A_222 = tpu.vector_load %arg7[%parallel_loop3A_220, %parallel_loop3A_221] {strides = array<i32>} : memref<512x64xf32, #tpu.memory_space<vmem>>, vector<1x16xf32>,
        %parallel_loop3A_223 = vector.shape_cast %parallel_loop3A_222 : vector<1x16xf32> to vector<16xf32>
        %parallel_loop3A_224 = arith.constant 8.000000e+00 : f32
        %parallel_loop3A_225 = vector.broadcast %parallel_loop3A_224 : f32 to vector<16xf32>
        %parallel_loop3A_226 = arith.mulf %parallel_loop3A_223, %parallel_loop3A_225 : vector<16xf32>
        %parallel_loop3A_227 = arith.index_cast %parallel_loop3A_207 : i32 to index
        %parallel_loop3A_228 = arith.constant 16 : index
        %parallel_loop3A_229 = tpu.vector_load %arg7[%parallel_loop3A_227, %parallel_loop3A_228] {strides = array<i32>} : memref<512x64xf32, #tpu.memory_space<vmem>>, vector<1x16xf32>,
        %parallel_loop3A_230 = vector.shape_cast %parallel_loop3A_229 : vector<1x16xf32> to vector<16xf32>
        %parallel_loop3A_231 = vector.shape_cast %parallel_loop3A_226 : vector<16xf32> to vector<1x16xf32>
        tpu.vector_store %arg7[%parallel_loop3A_227, %parallel_loop3A_228], %parallel_loop3A_231 {strides = array<i32>} : memref<512x64xf32, #tpu.memory_space<vmem>>, vector<1x16xf32>,
        %parallel_loop3A_232 = arith.index_cast %parallel_loop3A_207 : i32 to index
        %parallel_loop3A_233 = arith.constant 32 : index
        %parallel_loop3A_234 = tpu.vector_load %arg7[%parallel_loop3A_232, %parallel_loop3A_233] {strides = array<i32>} : memref<512x64xf32, #tpu.memory_space<vmem>>, vector<1x16xf32>,
        %parallel_loop3A_235 = vector.shape_cast %parallel_loop3A_234 : vector<1x16xf32> to vector<16xf32>
        %parallel_loop3A_236 = arith.constant 8.000000e+00 : f32
        %parallel_loop3A_237 = vector.broadcast %parallel_loop3A_236 : f32 to vector<16xf32>
        %parallel_loop3A_238 = arith.mulf %parallel_loop3A_235, %parallel_loop3A_237 : vector<16xf32>
        %parallel_loop3A_239 = arith.index_cast %parallel_loop3A_207 : i32 to index
        %parallel_loop3A_240 = arith.constant 32 : index
        %parallel_loop3A_241 = tpu.vector_load %arg7[%parallel_loop3A_239, %parallel_loop3A_240] {strides = array<i32>} : memref<512x64xf32, #tpu.memory_space<vmem>>, vector<1x16xf32>,
        %parallel_loop3A_242 = vector.shape_cast %parallel_loop3A_241 : vector<1x16xf32> to vector<16xf32>
        %parallel_loop3A_243 = vector.shape_cast %parallel_loop3A_238 : vector<16xf32> to vector<1x16xf32>
        tpu.vector_store %arg7[%parallel_loop3A_239, %parallel_loop3A_240], %parallel_loop3A_243 {strides = array<i32>} : memref<512x64xf32, #tpu.memory_space<vmem>>, vector<1x16xf32>,
        %parallel_loop3A_244 = arith.index_cast %parallel_loop3A_207 : i32 to index
        %parallel_loop3A_245 = arith.constant 48 : index
        %parallel_loop3A_246 = tpu.vector_load %arg7[%parallel_loop3A_244, %parallel_loop3A_245] {strides = array<i32>} : memref<512x64xf32, #tpu.memory_space<vmem>>, vector<1x16xf32>,
        %parallel_loop3A_247 = vector.shape_cast %parallel_loop3A_246 : vector<1x16xf32> to vector<16xf32>
        %parallel_loop3A_248 = arith.constant 8.000000e+00 : f32
        %parallel_loop3A_249 = vector.broadcast %parallel_loop3A_248 : f32 to vector<16xf32>
        %parallel_loop3A_250 = arith.mulf %parallel_loop3A_247, %parallel_loop3A_249 : vector<16xf32>
        %parallel_loop3A_251 = arith.index_cast %parallel_loop3A_207 : i32 to index
        %parallel_loop3A_252 = arith.constant 48 : index
        %parallel_loop3A_253 = tpu.vector_load %arg7[%parallel_loop3A_251, %parallel_loop3A_252] {strides = array<i32>} : memref<512x64xf32, #tpu.memory_space<vmem>>, vector<1x16xf32>,
        %parallel_loop3A_254 = vector.shape_cast %parallel_loop3A_253 : vector<1x16xf32> to vector<16xf32>
        %parallel_loop3A_255 = vector.shape_cast %parallel_loop3A_250 : vector<16xf32> to vector<1x16xf32>
        tpu.vector_store %arg7[%parallel_loop3A_251, %parallel_loop3A_252], %parallel_loop3A_255 {strides = array<i32>} : memref<512x64xf32, #tpu.memory_space<vmem>>, vector<1x16xf32>,
      } {sc.loop_unroll_factor = 8 : i64, sc.parallel_access}
      %mul3A_199 = arith.constant 512 : i32
      %mul3A_200 = arith.muli %add3A_131, %mul3A_199 : i32
      %add3A_201 = arith.addi %mul3A_2, %mul3A_200 : i32
      %dma_start3A_202 = arith.constant 0 : i32
      %dma_start3A_203 = tpu.memref_slice %arg4[%add3A_201, %dma_start3A_202] : memref<819200x64xf32, #tpu.memory_space<hbm>> -> memref<512x64xf32, #tpu.memory_space<hbm>>
      %dma_start3A_204 = arith.constant 0 : i32
      %dma_start3A_205 = tpu.memref_slice %arg4[%add3A_201, %dma_start3A_204] : memref<819200x64xf32, #tpu.memory_space<hbm>> -> memref<512x64xf32, #tpu.memory_space<hbm>>
      tpu.enqueue_dma source(%arg7 : memref<512x64xf32, #tpu.memory_space<vmem>>) target(%dma_start3A_205 : memref<512x64xf32, #tpu.memory_space<hbm>>) target_semaphore(%arg11 : memref<!tpu.dma_semaphore, #tpu.memory_space<semaphore_mem>>)
      %scan3A_206 = arith.constant 0 : i32
      scf.yield %scan3A_206 : i32
    }
    %scan3A_47 = arith.constant 25 : i32
    %add3A_48 = arith.constant 25088 : i32
    %add3A_49 = arith.addi %mul3A_2, %add3A_48 : i32
    %dma_wait3A = arith.constant 0 : i32
    %dma_wait3A_50 = tpu.memref_slice %arg4[%add3A_49, %dma_wait3A] : memref<819200x64xf32, #tpu.memory_space<hbm>> -> memref<512x64xf32, #tpu.memory_space<hbm>>
    %dma_wait3A_51 = arith.constant 0 : i32
    %dma_wait3A_52 = tpu.memref_slice %arg4[%add3A_49, %dma_wait3A_51] : memref<819200x64xf32, #tpu.memory_space<hbm>> -> memref<512x64xf32, #tpu.memory_space<hbm>>
    tpu.wait_dma2 semaphore(%arg11 : memref<!tpu.dma_semaphore, #tpu.memory_space<semaphore_mem>>) src(%arg7 : memref<512x64xf32, #tpu.memory_space<vmem>>) dst(%dma_wait3A_52 : memref<512x64xf32, #tpu.memory_space<hbm>>)
    return
  }
}

</mosaic_0001>

<sc_bundles>
// kernel: _embed.3.cloned.1.call-start
scs
__scs_entry_jumppad:
0x0: {  	(pc) =	sbr.rel $0x88, $3  }
0x1: {  	(tag) =	ssettag $0x0;
	lr =	simm.s32 $0x1  }
0x2: {  	[smem:$0x3F9F] =	sst lr;
	_ =	strace $0xD0000000  }
0x3: {  	_ = 	snop  }
0x4: {  	_ = 	snop  }
0x5: {  	_ = 	snop  }
0x6: {  	_ = 	snop  }
0x7: {  	_ = 	snop  }
__scs_overlays_trampoline_lowered:
0x8: {  	[smem:$0x3FAE] =	sst s0  }
0x9: {  	[smem:$0x3FAF] =	sst s1  }
0xa: {  	[smem:$0x3FB0] =	sst s2  }
0xb: {  	[smem:$0x3FB1] =	sst s3  }
0xc: {  	[smem:$0x3FB2] =	sst s4  }
0xd: {  	[smem:$0x3FB3] =	sst s5  }
0xe: {  	[smem:$0x3FB4] =	sst s6  }
0xf: {  	[smem:$0x3FB5] =	sst s7  }
0x10: {  	[smem:$0x3FB6] =	sst s8  }
0x11: {  	[smem:$0x3FB7] =	sst s9;
	s0 =	simm.s32 @!p0 $0x0  }
0x12: {  	s1 =	sld [smem:$0x3F9D];
	s0 =	simm.s32 @p0 $0x1  }
0x13: {  	[smem:$0x3FB8] =	sst s0;
	s0 =	simm.s32 @!p1 $0x0  }
0x14: {  	s2 =	sld [smem:$0x3F9C];
	s0 =	simm.s32 @p1 $0x1  }
0x15: {  	[smem:$0x3FB9] =	sst s0;
	s0 =	simm.s32 @!p2 $0x0  }
0x16: {  	s3 =	sld [smem:$0x3FDB];
	s0 =	simm.s32 @p2 $0x1  }
0x17: {  	s4 =	simm.s32 $0x1BF5;
	[smem:$0x3FBB] =	sst s0  }
0x18: {  	s0 =	sld [smem:$0x3F9E];
	_ =	swait.ge [sflag:s4], $0x0  }
0x19: {  	s7 =	sld [smem:$0x3F9F]  }
0x1a: {  	s8 =	sadd.s32 $0xFFFFE003, lr  }
0x1b: {  	s9 =	sadd.s32 $0xFFFFFEF7, lr;
	s5 =	simm.s32 $0xFFFFFFFF;
	p2 =	slt.u32 s8, $0xFFFFF086  }
0x1c: {  	p1 =	slt.u32 s9, $0xF7A;
	s5 =	simm.s32 @!p2 $0x0  }
0x1d: {  	s5 =	simm.s32 @p1 $0x1;
	p0 =	seq.s32 s7, s2  }
0x1e: {  	s7 =	smul.u32 @!p0 $0xF7A, s2;
	p2 =	seq.s32 @!p0 s5, $0x0  }
0x1f: {  	s9 =	smul.u32 $0xF7A, s1;
	s8 =	simm.s32 @!p0 $0x1BF5;
	p2 =	por !p2, p0  }
0x20: {  	[sflag:s8] =	ssyncset.s32 @!p0 $0xFFFFF086;
	s6 =	sadd.s32 @!p0 s3, s7;
	s7 =	simm.s32 @!p0 $0x108  }
0x21: {  	s3 =	sadd.s32 s3, s9;
	s6 =	sadd.s32 @!p0 $0x88, s6;
	s7 =	simm.s32 @p2 $0x1082  }
0x22: {  	[simem:s7], [sflag:s8] =	dma.local @!p0 [hbm:s6], $0xF7A  }
0x23: {  	s9 =	sor.u32 $0xD0000000, s2;
	s6 =	simm.s32 $0x108;
	_ =	swait.ge @!p0 [sflag:s8], $0x0  }
0x24: {  	s3 =	sadd.s32 $0x88, s3;
	s6 =	simm.s32 @!p1 $0x1082;
	[sflag:s4] =	ssyncset.s32 $0xFFFFF086  }
0x25: {  	[simem:s6], [sflag:s4] =	dma.local [hbm:s3], $0xF7A  }
0x26: {  	[smem:$0x3F9F] =	sst s1;
	(tag) =	ssettag s2;
	_ =	strace s9  }
0x27: {  	s1 =	sld [smem:$0x3FAF]  }
0x28: {  	s2 =	sld [smem:$0x3FB0]  }
0x29: {  	s4 =	sld [smem:$0x3FB2]  }
0x2a: {  	p0 =	seq.s32 s5, $0x0;
	s5 =	sld [smem:$0x3FB3]  }
0x2b: {  	s6 =	sld [smem:$0x3FB4]  }
0x2c: {  	s7 =	sld [smem:$0x3FB5]  }
0x2d: {  	s3 =	simm.s32 $0x108;
	s8 =	sld [smem:$0x3FB6]  }
0x2e: {  	s3 =	simm.s32 @!p0 $0x1082;
	s9 =	sld [smem:$0x3FB7]  }
0x2f: {  	lr =	sadd.s32 s0, s3;
	s0 =	sld [smem:$0x3FAE]  }
0x30: {  	s3 =	sld [smem:$0x3FB1]  }
0x31: {  	[smem:$0x3FBA] =	sst s10  }
0x32: {  	s10 =	sld [smem:$0x3FB8];
	_ =	sdelay $0x3  }
0x33: {  	p0 =	seq.s32 s10, $0x1;
	s10 =	sld [smem:$0x3FBA];
	_ =	sdelay $0x3  }
0x34: {  	[smem:$0x3FBA] =	sst s10  }
0x35: {  	s10 =	sld [smem:$0x3FB9];
	_ =	sdelay $0x3  }
0x36: {  	p1 =	seq.s32 s10, $0x1;
	s10 =	sld [smem:$0x3FBA];
	_ =	sdelay $0x3  }
0x37: {  	[smem:$0x3FBA] =	sst s10  }
0x38: {  	s10 =	sld [smem:$0x3FBB]  }
0x39: {  	_ = 	snop;
	(pc) =	sbr.ind lr, $3  }
0x3a: {  	_ = 	snop  }
0x3b: {  	_ = 	snop  }
0x3c: {  	p2 =	seq.s32 s10, $0x1;
	s10 =	sld [smem:$0x3FBA]  }
0x3d: {  	_ =	shalt  }
0x3e: {  	_ =	shalt  }
0x3f: {  	_ =	shalt  }
0x40: {  	_ =	shalt  }
0x41: {  	_ =	shalt  }
0x42: {  	_ =	shalt  }
0x43: {  	_ =	shalt  }
0x44: {  	_ =	shalt  }
0x45: {  	_ =	shalt  }
0x46: {  	_ =	shalt  }
0x47: {  	_ =	shalt  }
0x48: {  	_ =	shalt  }
0x49: {  	_ =	shalt  }
0x4a: {  	_ =	shalt  }
0x4b: {  	_ =	shalt  }
0x4c: {  	_ =	shalt  }
0x4d: {  	_ =	shalt  }
0x4e: {  	_ =	shalt  }
0x4f: {  	_ =	shalt  }
0x50: {  	_ =	shalt  }
0x51: {  	_ =	shalt  }
0x52: {  	_ =	shalt  }
0x53: {  	_ =	shalt  }
0x54: {  	_ =	shalt  }
0x55: {  	_ =	shalt  }
0x56: {  	_ =	shalt  }
0x57: {  	_ =	shalt  }
0x58: {  	_ =	shalt  }
0x59: {  	_ =	shalt  }
0x5a: {  	_ =	shalt  }
0x5b: {  	_ =	shalt  }
0x5c: {  	_ =	shalt  }
0x5d: {  	_ =	shalt  }
0x5e: {  	_ =	shalt  }
0x5f: {  	_ =	shalt  }
0x60: {  	_ =	shalt  }
0x61: {  	_ =	shalt  }
0x62: {  	_ =	shalt  }
0x63: {  	_ =	shalt  }
0x64: {  	_ =	shalt  }
0x65: {  	_ =	shalt  }
0x66: {  	_ =	shalt  }
0x67: {  	_ =	shalt  }
0x68: {  	_ =	shalt  }
0x69: {  	_ =	shalt  }
0x6a: {  	_ =	shalt  }
0x6b: {  	_ =	shalt  }
0x6c: {  	_ =	shalt  }
0x6d: {  	_ =	shalt  }
0x6e: {  	_ =	shalt  }
0x6f: {  	_ =	shalt  }
0x70: {  	_ =	shalt  }
0x71: {  	_ =	shalt  }
0x72: {  	_ =	shalt  }
0x73: {  	_ =	shalt  }
0x74: {  	_ =	shalt  }
0x75: {  	_ =	shalt  }
0x76: {  	_ =	shalt  }
0x77: {  	_ =	shalt  }
0x78: {  	_ =	shalt  }
0x79: {  	_ =	shalt  }
0x7a: {  	_ =	shalt  }
0x7b: {  	_ =	shalt  }
0x7c: {  	_ =	shalt  }
0x7d: {  	_ =	shalt  }
0x7e: {  	_ =	shalt  }
0x7f: {  	_ =	shalt  }
0x80: {  	_ =	shalt  }
0x81: {  	_ =	shalt  }
0x82: {  	_ =	shalt  }
0x83: {  	_ =	shalt  }
0x84: {  	_ =	shalt  }
0x85: {  	_ =	shalt  }
0x86: {  	_ =	shalt  }
0x87: {  	_ =	shalt  }
.Lfunc_end0:
.L_simem_size_0:
called_computation.1_lowered:
.L_overlay_start_0:
0x88: {  	s2 =	sld [smem:$0x3FD9]  }
0x89: {  	s3 =	sld [smem:$0x3FFE];
	_ =	sdelay $0x1  }
0x8a: {  	s1 =	srdreg.scid  }
0x8b: {  	s0 =	sand.u32 $0x1, s1  }
0x8c: {  	s17 =	sshll.u32 s0, $0xA;
	s2 =	sadd.s32 s3, s2  }
0x8d: {  	s2 =	sadd.s32 s2, s17  }
0x8e: {  	[smem:$0x3FC6] =	sst s2  }
0x8f: {  	_ = 	snop  }
0x90: {  	s2 =	sld [smem:$0x3FC9]  }
0x91: {  	s18 =	sld [smem:$0x3FD0];
	(tm) =	ssettm $0x1  }
0x92: {  	s4 =	sld [smem:$0x3FFB];
	_ =	sdelay $0x3  }
0x93: {  	_ =	strace s4  }
0x94: {  	s4 =	sld [smem:$0x3FFC];
	_ =	sdelay $0x3  }
0x95: {  	_ =	strace s4  }
0x96: {  	s4 =	sld [smem:$0x3FFD];
	_ =	sdelay $0x3  }
0x97: {  	_ =	strace s4  }
0x98: {  	_ =	strace $0x8FFFFFFF  }
0x99: {  	s19 =	sld [smem:$0x3FDB];
	_ =	sdelay $0x1  }
0x9a: {  	s5 =	simm.s32 $_scs_section_size  }
0x9b: {  	s6 =	simm.s32 $_size__tile_overlayer_lowered;
	s7 =	simm.s32 $_tile_overlayer_lowered  }
0x9c: {  	s22 =	simm.s32 $0x1BFF;
	s21 =	sshll.u32 s7, $0x1;
	s4 =	sadd.s32 s5, s19  }
0x9d: {  	s8 =	simm.s32 $0x0;
	s20 =	sshll.u32 s6, $0x1;
	s6 =	sadd.s32 s21, s4  }
0x9e: {  	[timem:s8], [sflag:s22] =	dma.local [hbm:s6], s20  }
0x9f: {  	_ =	swait.ge [sflag:s22], s20  }
0xa0: {  	s5 =	ssub.s32 $0x0, s20;
	[sflag:s22] =	ssyncset.done $0x0  }
0xa1: {  	[sflag:s22] =	ssyncadd.s32 s5;
	_ =	sdelay $0x1  }
0xa2: {  	s23 =	simm.s32 $0x1B8B  }
0xa3: {  	_ =	swait.ge [sflag:s23], $0x1  }
0xa4: {  	[sflag:s23] =	ssyncset.done $0x0  }
0xa5: {  	s25 =	simm.s32 $0x1B8E;
	s24 =	sld [smem:$0x3FFE];
	[sflag:s23] =	ssyncadd.s32 $0xFFFFFFFF  }
0xa6: {  	s26 =	simm.s32 $execute0_lowered;
	[smem:$0x3FD2] =	sst s25  }
0xa7: {  	s6 =	sshll.u32 s26, $0x1;
	_ =	strace $0x80000046;
	[dreg:$0x1] =	wrdreg $0xFFFFFFFF  }
0xa8: {  	s28 =	simm.s32 $_size_execute0_lowered;
	s4 =	sadd.s32 s4, s6;
	[dreg:$0x0] =	wrdreg $0x0  }
0xa9: {  	s6 =	sshll.u32 s28, $0x1;
	[dreg:$0x2] =	wrdreg s4  }
0xaa: {  	[dreg:$0x3] =	wrdreg s6  }
0xab: {  	[dreg:$0x4] =	wrdreg $0xC0  }
0xac: {  	_ =	task [dreg:s8], $0x5FFFF  }
0xad: {  	[dreg:$0x1] =	wrdreg $0xFFFFFFFF  }
0xae: {  	[dreg:$0x0] =	wrdreg $0x60  }
0xaf: {  	[dreg:$0x2] =	wrdreg s2  }
0xb0: {  	[dreg:$0x3] =	wrdreg s24  }
0xb1: {  	[dreg:$0x4] =	wrdreg s18  }
0xb2: {  	[dreg:$0x5] =	wrdreg $0x9  }
0xb3: {  	_ =	task.clear_ibuf [dreg:s8], $0x6FFFF;
	_ =	strace $0x90000046  }
0xb4: {  	s29 =	simm.s32 $0x9;
	_ =	strace $0x80000048  }
0xb5: {  	_ =	swait.ge [sflag:s29], $0x1  }
0xb6: {  	[sflag:s29] =	ssyncadd.s32 $0xFFFFFFFF  }
0xb7: {  	_ =	strace $0x90000048  }
0xb8: {  	_ =	sfence  }
0xb9: {  	s30 =	sld [smem:$0x0];
	_ =	sdelay $0x2  }
0xba: {  	s31 =	sshll.u32 s1, $0xD;
	s1 =	sshrl.u32 s1, $0x2  }
0xbb: {  	s3 =	sand.u32 $0x4000, s31;
	s1 =	sadd.s32 s1, s30  }
0xbc: {  	s0 =	sor.u32 s3, s0;
	s1 =	sshll.u32 s1, $0x11  }
0xbd: {  	s0 =	sor.u32 s1, s0  }
0xbe: {  	s0 =	sadd.s32 $0x8F2B, s0  }
0xbf: {  	[sflag:s0] =	ssyncadd.remote.s32 $0x1  }
0xc0: {  	_ =	sfence.sel $0xFFFF  }
0xc1: {  	[dreg:$0x0] =	wrdreg $0xFFFFFFFF;
	(pc) =	sbr.abs _section_cstart, $3  }
0xc2: {  	[dreg:$0x1] =	wrdreg $0xFFFFFFFF  }
0xc3: {  	_ =	task.clear_ibuf [dreg:s8], $0x2FFFF;
	_ =	strace $0x9FFFFFFF  }
0xc4: {  	(tm) =	ssettm $0x7FFFFFFF  }
0xc5: {  	_ =	shalt  }
tec
execute0_lowered:
.L_overlay_start_1:
0x0: {  	(tag) =	ssettag $0x1  }
0x1: {  	s5 =	rddreg [dreg:$0x0]  }
0x2: {  	s4 =	rddreg [dreg:$0x1]  }
0x3: {  	s1 =	srdreg.scid;
	s0 =	stileid.u32  }
0x4: {  	s2 =	rddreg [dreg:$0x2];
	s3 =	simm.s32 $0x0;
	s10 =	simm.s32 $0x6400  }
0x5: {  	s11 =	simm.s32 $0x8400;
	s12 =	simm.s32 $0x100;
	s13 =	simm.s32 $0xA400  }
0x6: {  	s14 =	simm.s32 $0x180;
	s15 =	simm.s32 $0xC400;
	s16 =	simm.s32 $0xE400  }
0x7: {  	s17 =	simm.s32 $0x10400;
	s18 =	simm.s32 $0x12400;
	s19 =	simm.s32 $0x14400  }
0x8: {  	s20 =	simm.s32 $0x1;
	s21 =	simm.s32 $0x3;
	s22 =	simm.s32 $0x2  }
0x9: {  	s23 =	simm.s32 $0x4;
	s6 =	sand.u32 $0x1, s1;
	s7 =	sshll.u32 s0, $0x1  }
0xa: {  	s24 =	simm.s32 $0x0;
	s1 =	rddreg [dreg:$0x3];
	s7 =	sor.u32 s6, s7  }
0xb: {  	[smem:$0x7FF] =	sst s3;
	s6 =	ssub.s32 $0x2, s6;
	s8 =	smul.u32 $0xC80, s7  }
0xc: {  	s4 =	sadd.s32 $0xF42C00, s4;
	_ =	strace $0x80000047;
	s9 =	sshrl.u32 s6, $0x1  }
0xd: {  	s9 =	ssub.s32 s6, s9;
	s6 =	smul.u32 $0x190000, s7;
	s5 =	sadd.s32 s5, s8  }
0xe: {  	s7 =	smax.u32 s9, $0x1;
	s8 =	simm.s32 $0x5;
	s9 =	simm.s32 $0x80  }
.LBB2_1:
0xf: {  	[tilespmem:s3], [sflag:$0x5] =	stream.linear.gather [hbm4b:s5+s3], $0x6400, $0x38;
	[tilespmem:$0x16400] =	vst v63  }
0x10: {  	_ =	swait.ge [sflag:s8], $0x6400  }
0x11: {  	[sflag:s8] =	ssyncset.done $0x0  }
0x12: {  	[sflag:s8] =	ssyncadd.s32 $0xFFFF9C00  }
0x13: {  	[tilespmem:s10], [sflag:$0x1] =	stream.indirect.gather [hbm4b:s4+s9], $0x40, s3, s9, $0xb8;
	[tilespmem:$0x16400] =	vst v63  }
0x14: {  	_ = 	snop  }
0x15: {  	[tilespmem:s11], [sflag:$0x1] =	stream.indirect.gather [hbm4b:s4+s9], $0x40, s9, s9, $0xb8;
	[tilespmem:$0x16400] =	vst v63  }
0x16: {  	_ = 	snop  }
0x17: {  	[tilespmem:s13], [sflag:$0x1] =	stream.indirect.gather [hbm4b:s4+s9], $0x40, s12, s9, $0xb8;
	[tilespmem:$0x16400] =	vst v63  }
0x18: {  	s25 =	simm.s32 $0x0  }
0x19: {  	[tilespmem:s15], [sflag:$0x1] =	stream.indirect.gather [hbm4b:s4+s9], $0x40, s14, s9, $0xb8;
	[tilespmem:$0x16400] =	vst v63  }
.LBB2_2:
0x1a: {  	p0 =	seq.s32 s25, $0x0  }
0x1b: {  	s26 =	sshll.u32 s25, $0x1;
	s28 =	simm.s32 @!p0 $0x4  }
0x1c: {  	s26 =	sor.u32 $0x1, s26;
	_ =	swait.ge @!p0 [sflag:s28], $0x8000  }
0x1d: {  	s29 =	sshll.u32 s26, $0x9;
	[sflag:s28] =	ssyncset.done @!p0 $0x0  }
0x1e: {  	[sflag:s28] =	ssyncadd.s32 @!p0 $0xFFFF8000;
	s28 =	sand.u32 $0x3FFFFE00, s29  }
0x1f: {  	[tilespmem:s16], [sflag:$0x2] =	stream.indirect.gather [hbm4b:s4+s9], $0x40, s28, s9, $0xb8;
	[tilespmem:$0x16400] =	vst v63  }
0x20: {  	s29 =	sor.u32 $0x80, s28  }
0x21: {  	[tilespmem:s17], [sflag:$0x2] =	stream.indirect.gather [hbm4b:s4+s9], $0x40, s29, s9, $0xb8;
	[tilespmem:$0x16400] =	vst v63  }
0x22: {  	s29 =	sor.u32 $0x100, s28  }
0x23: {  	[tilespmem:s18], [sflag:$0x2] =	stream.indirect.gather [hbm4b:s4+s9], $0x40, s29, s9, $0xb8;
	[tilespmem:$0x16400] =	vst v63  }
0x24: {  	s28 =	sor.u32 $0x180, s28  }
0x25: {  	[tilespmem:s19], [sflag:$0x2] =	stream.indirect.gather [hbm4b:s4+s9], $0x40, s28, s9, $0xb8;
	[tilespmem:$0x16400] =	vst v63  }
0x26: {  	_ =	swait.ge [sflag:s20], $0x2000  }
0x27: {  	[sflag:s20] =	ssyncset.done $0x0  }
0x28: {  	[sflag:s20] =	ssyncadd.s32 $0xFFFFE000  }
0x29: {  	_ =	swait.ge [sflag:s20], $0x2000  }
0x2a: {  	[sflag:s20] =	ssyncset.done $0x0  }
0x2b: {  	[sflag:s20] =	ssyncadd.s32 $0xFFFFE000  }
0x2c: {  	_ =	swait.ge [sflag:s20], $0x2000  }
0x2d: {  	[sflag:s20] =	ssyncset.done $0x0  }
0x2e: {  	[sflag:s20] =	ssyncadd.s32 $0xFFFFE000  }
0x2f: {  	_ =	swait.ge [sflag:s20], $0x2000  }
0x30: {  	[sflag:s20] =	ssyncset.done $0x0  }
0x31: {  	s28 =	simm.s32 $0x6500;
	[sflag:s20] =	ssyncadd.s32 $0xFFFFE000  }
0x32: {  	v0 =	vld [tilespmem:s28+$0xF0]  }
0x33: {  	v1 =	vld [tilespmem:s28+$0xFFFFFF10]  }
0x34: {  	v2 =	vld [tilespmem:s28+$0xFFFFFF20]  }
0x35: {  	v3 =	vld [tilespmem:s28+$0xFFFFFF30]  }
0x36: {  	v4 =	vld [tilespmem:s28+$0xFFFFFF40]  }
0x37: {  	v5 =	vld [tilespmem:s28+$0xFFFFFF50];
	v0 =	vmul.f32 $8.000000000e+00, v0  }
0x38: {  	v6 =	vld [tilespmem:s28+$0xFFFFFF60];
	v1 =	vmul.f32 $8.000000000e+00, v1  }
0x39: {  	v7 =	vld [tilespmem:s28+$0xFFFFFF70];
	v2 =	vmul.f32 $8.000000000e+00, v2;
	[tilespmem:s28+$0xF0] =	vst v0  }
0x3a: {  	[tilespmem:s28+$0xFFFFFF10] =	vst v1;
	v0 =	vmul.f32 $8.000000000e+00, v3;
	v1 =	vld [tilespmem:s28+$0xFFFFFF80]  }
0x3b: {  	[tilespmem:s28+$0xFFFFFF20] =	vst v2;
	v2 =	vmul.f32 $8.000000000e+00, v4;
	v3 =	vld [tilespmem:s28+$0xFFFFFF90]  }
0x3c: {  	v4 =	vld [tilespmem:s28+$0xFFFFFFA0];
	[tilespmem:s28+$0xFFFFFF30] =	vst v0;
	v0 =	vmul.f32 $8.000000000e+00, v5  }
0x3d: {  	[tilespmem:s28+$0xFFFFFF40] =	vst v2;
	v2 =	vmul.f32 $8.000000000e+00, v6;
	v5 =	vld [tilespmem:s28+$0xFFFFFFB0]  }
0x3e: {  	v6 =	vld [tilespmem:s28+$0xFFFFFFC0];
	[tilespmem:s28+$0xFFFFFF50] =	vst v0;
	v0 =	vmul.f32 $8.000000000e+00, v7  }
0x3f: {  	[tilespmem:s28+$0xFFFFFF60] =	vst v2;
	v2 =	vld [tilespmem:s28+$0xFFFFFFD0];
	v1 =	vmul.f32 $8.000000000e+00, v1  }
0x40: {  	[tilespmem:s28+$0xFFFFFF70] =	vst v0;
	v0 =	vmul.f32 $8.000000000e+00, v3;
	v3 =	vld [tilespmem:s28+$0xFFFFFFE0]  }
0x41: {  	[tilespmem:s28+$0xFFFFFF80] =	vst v1;
	v1 =	vmul.f32 $8.000000000e+00, v4;
	v4 =	vld [tilespmem:s28+$0xFFFFFFF0]  }
0x42: {  	[tilespmem:s28+$0xFFFFFF90] =	vst v0;
	v0 =	vmul.f32 $8.000000000e+00, v5;
	v5 =	vld [tilespmem:s28+$0x0]  }
0x43: {  	[tilespmem:s28+$0xFFFFFFA0] =	vst v1;
	v1 =	vmul.f32 $8.000000000e+00, v6;
	v6 =	vld [tilespmem:s28+$0x10]  }
0x44: {  	[tilespmem:s28+$0xFFFFFFB0] =	vst v0;
	v0 =	vmul.f32 $8.000000000e+00, v2;
	v2 =	vld [tilespmem:s28+$0x20]  }
0x45: {  	[tilespmem:s28+$0xFFFFFFC0] =	vst v1;
	v1 =	vmul.f32 $8.000000000e+00, v3;
	v3 =	vld [tilespmem:s28+$0x30]  }
0x46: {  	[tilespmem:s28+$0xFFFFFFD0] =	vst v0;
	v0 =	vmul.f32 $8.000000000e+00, v4;
	v4 =	vld [tilespmem:s28+$0x40]  }
0x47: {  	[tilespmem:s28+$0xFFFFFFE0] =	vst v1;
	v1 =	vmul.f32 $8.000000000e+00, v5;
	v5 =	vld [tilespmem:s28+$0x50]  }
0x48: {  	[tilespmem:s28+$0xFFFFFFF0] =	vst v0;
	v0 =	vmul.f32 $8.000000000e+00, v6;
	v6 =	vld [tilespmem:s28+$0x60]  }
0x49: {  	[tilespmem:s28+$0x0] =	vst v1;
	v1 =	vmul.f32 $8.000000000e+00, v2;
	v2 =	vld [tilespmem:s28+$0x70]  }
0x4a: {  	[tilespmem:s28+$0x10] =	vst v0;
	v0 =	vmul.f32 $8.000000000e+00, v3;
	v3 =	vld [tilespmem:s28+$0x80]  }
0x4b: {  	[tilespmem:s28+$0x20] =	vst v1;
	v1 =	vmul.f32 $8.000000000e+00, v4;
	v4 =	vld [tilespmem:s28+$0x90]  }
0x4c: {  	v7 =	vld [tilespmem:s28+$0xA0];
	[tilespmem:s28+$0x30] =	vst v0;
	v5 =	vmul.f32 $8.000000000e+00, v5  }
0x4d: {  	v0 =	vld [tilespmem:s28+$0xB0];
	[tilespmem:s28+$0x40] =	vst v1;
	v6 =	vmul.f32 $8.000000000e+00, v6  }
0x4e: {  	v1 =	vld [tilespmem:s28+$0xC0];
	[tilespmem:s28+$0x50] =	vst v5;
	v5 =	vmul.f32 $8.000000000e+00, v2  }
0x4f: {  	v2 =	vld [tilespmem:s28+$0xD0];
	[tilespmem:s28+$0x60] =	vst v6;
	v6 =	vmul.f32 $8.000000000e+00, v3  }
0x50: {  	v3 =	vld [tilespmem:s28+$0xE0];
	[tilespmem:s28+$0x70] =	vst v5;
	v5 =	vmul.f32 $8.000000000e+00, v4  }
0x51: {  	s30 =	simm.s32 $0x6700;
	s29 =	simm.s32 $0x0;
	v4 =	vld [tilespmem:s28+$0xFFFFFF00];
	[tilespmem:s28+$0x80] =	vst v6;
	v6 =	vmul.f32 $8.000000000e+00, v7  }
.LBB2_3:
0x52: {  	v7 =	vld [tilespmem:s30+$0xF0];
	s29 =	sadd.s32 $0x8, s29;
	[tilespmem:s28+$0x90] =	vst v5;
	v0 =	vmul.f32 $8.000000000e+00, v0  }
0x53: {  	v5 =	vld [tilespmem:s30+$0xFFFFFF10];
	p0 =	slt.u32 s29, $0x1F8;
	[tilespmem:s28+$0xA0] =	vst v6;
	v1 =	vmul.f32 $8.000000000e+00, v1  }
0x54: {  	v6 =	vld [tilespmem:s30+$0xFFFFFF20];
	[tilespmem:s28+$0xB0] =	vst v0;
	v0 =	vmul.f32 $8.000000000e+00, v2  }
0x55: {  	v2 =	vld [tilespmem:s30+$0xFFFFFF30];
	[tilespmem:s28+$0xC0] =	vst v1;
	v1 =	vmul.f32 $8.000000000e+00, v3  }
0x56: {  	v3 =	vld [tilespmem:s30+$0xFFFFFF40];
	v4 =	vmul.f32 $8.000000000e+00, v4;
	[tilespmem:s28+$0xD0] =	vst v0  }
0x57: {  	v0 =	vld [tilespmem:s30+$0xFFFFFF50];
	v7 =	vmul.f32 $8.000000000e+00, v7;
	[tilespmem:s28+$0xE0] =	vst v1  }
0x58: {  	v1 =	vmul.f32 $8.000000000e+00, v5;
	v5 =	vld [tilespmem:s30+$0xFFFFFF60];
	[tilespmem:s28+$0xFFFFFF00] =	vst v4;
	s28 =	smov.u32 s30  }
0x59: {  	v4 =	vmul.f32 $8.000000000e+00, v6;
	v6 =	vld [tilespmem:s30+$0xFFFFFF70];
	[tilespmem:s30+$0xF0] =	vst v7  }
0x5a: {  	[tilespmem:s30+$0xFFFFFF10] =	vst v1;
	v1 =	vmul.f32 $8.000000000e+00, v2;
	v2 =	vld [tilespmem:s30+$0xFFFFFF80]  }
0x5b: {  	[tilespmem:s30+$0xFFFFFF20] =	vst v4;
	v3 =	vmul.f32 $8.000000000e+00, v3;
	v4 =	vld [tilespmem:s30+$0xFFFFFF90]  }
0x5c: {  	[tilespmem:s30+$0xFFFFFF30] =	vst v1;
	v0 =	vmul.f32 $8.000000000e+00, v0;
	v1 =	vld [tilespmem:s30+$0xFFFFFFA0]  }
0x5d: {  	[tilespmem:s30+$0xFFFFFF40] =	vst v3;
	v3 =	vmul.f32 $8.000000000e+00, v5;
	v5 =	vld [tilespmem:s30+$0xFFFFFFB0]  }
0x5e: {  	[tilespmem:s30+$0xFFFFFF50] =	vst v0;
	v0 =	vmul.f32 $8.000000000e+00, v6;
	v6 =	vld [tilespmem:s30+$0xFFFFFFC0]  }
0x5f: {  	[tilespmem:s30+$0xFFFFFF60] =	vst v3;
	v2 =	vmul.f32 $8.000000000e+00, v2;
	v3 =	vld [tilespmem:s30+$0xFFFFFFD0]  }
0x60: {  	[tilespmem:s30+$0xFFFFFF70] =	vst v0;
	v0 =	vmul.f32 $8.000000000e+00, v4;
	v4 =	vld [tilespmem:s30+$0xFFFFFFE0]  }
0x61: {  	[tilespmem:s30+$0xFFFFFF80] =	vst v2;
	v1 =	vmul.f32 $8.000000000e+00, v1;
	v2 =	vld [tilespmem:s30+$0xFFFFFFF0]  }
0x62: {  	[tilespmem:s30+$0xFFFFFF90] =	vst v0;
	v0 =	vmul.f32 $8.000000000e+00, v5;
	v5 =	vld [tilespmem:s30+$0x0]  }
0x63: {  	[tilespmem:s30+$0xFFFFFFA0] =	vst v1;
	v1 =	vmul.f32 $8.000000000e+00, v6;
	v6 =	vld [tilespmem:s30+$0x10]  }
0x64: {  	[tilespmem:s30+$0xFFFFFFB0] =	vst v0;
	v0 =	vmul.f32 $8.000000000e+00, v3;
	v3 =	vld [tilespmem:s30+$0x20]  }
0x65: {  	[tilespmem:s30+$0xFFFFFFC0] =	vst v1;
	v1 =	vmul.f32 $8.000000000e+00, v4;
	v4 =	vld [tilespmem:s30+$0x30]  }
0x66: {  	[tilespmem:s30+$0xFFFFFFD0] =	vst v0;
	v0 =	vmul.f32 $8.000000000e+00, v2;
	v2 =	vld [tilespmem:s30+$0x40]  }
0x67: {  	[tilespmem:s30+$0xFFFFFFE0] =	vst v1;
	v1 =	vmul.f32 $8.000000000e+00, v5;
	v5 =	vld [tilespmem:s30+$0x50]  }
0x68: {  	[tilespmem:s30+$0xFFFFFFF0] =	vst v0;
	v0 =	vmul.f32 $8.000000000e+00, v6;
	v6 =	vld [tilespmem:s30+$0x60]  }
0x69: {  	[tilespmem:s30+$0x0] =	vst v1;
	v1 =	vmul.f32 $8.000000000e+00, v3;
	v3 =	vld [tilespmem:s30+$0x70]  }
0x6a: {  	[tilespmem:s30+$0x10] =	vst v0;
	v0 =	vmul.f32 $8.000000000e+00, v4;
	v4 =	vld [tilespmem:s30+$0x80]  }
0x6b: {  	[tilespmem:s30+$0x20] =	vst v1;
	v1 =	vmul.f32 $8.000000000e+00, v2;
	v7 =	vld [tilespmem:s30+$0x90]  }
0x6c: {  	[tilespmem:s30+$0x30] =	vst v0;
	v2 =	vmul.f32 $8.000000000e+00, v5;
	v8 =	vld [tilespmem:s30+$0xA0]  }
.Ltmp0:
0x6d: {  	[tilespmem:s30+$0x40] =	vst v1;
	v5 =	vmul.f32 $8.000000000e+00, v6;
	v0 =	vld [tilespmem:s30+$0xB0];
	(pc) =	sbr.rel @p0 .LBB2_3-.Ltmp0, $4  }
0x6e: {  	[tilespmem:s30+$0x50] =	vst v2;
	v3 =	vmul.f32 $8.000000000e+00, v3;
	v1 =	vld [tilespmem:s30+$0xC0]  }
0x6f: {  	[tilespmem:s30+$0x60] =	vst v5;
	v6 =	vmul.f32 $8.000000000e+00, v4;
	v2 =	vld [tilespmem:s30+$0xD0]  }
0x70: {  	[tilespmem:s30+$0x70] =	vst v3;
	v5 =	vmul.f32 $8.000000000e+00, v7;
	v3 =	vld [tilespmem:s30+$0xE0]  }
0x71: {  	s30 =	sadd.s32 $0x200, s30;
	v4 =	vld [tilespmem:s28+$0xFFFFFF00];
	[tilespmem:s28+$0x80] =	vst v6;
	v6 =	vmul.f32 $8.000000000e+00, v8  }
0x72: {  	[tilespmem:s28+$0x90] =	vst v5;
	v0 =	vmul.f32 $8.000000000e+00, v0  }
0x73: {  	[tilespmem:s28+$0xA0] =	vst v6;
	v1 =	vmul.f32 $8.000000000e+00, v1  }
0x74: {  	[tilespmem:s28+$0xB0] =	vst v0;
	v0 =	vmul.f32 $8.000000000e+00, v2  }
0x75: {  	s29 =	sshll.u32 s25, $0x10;
	[tilespmem:s28+$0xC0] =	vst v1;
	v1 =	vmul.f32 $8.000000000e+00, v3  }
0x76: {  	s29 =	sadd.s32 s6, s29;
	v2 =	vmul.f32 $8.000000000e+00, v4;
	[tilespmem:s28+$0xD0] =	vst v0  }
0x77: {  	s29 =	sshrl.u32 s29, $0x3;
	[tilespmem:s28+$0xE0] =	vst v1  }
0x78: {  	p0 =	seq.s32 s25, $0x18;
	[tilespmem:s28+$0xFFFFFF00] =	vst v2;
	s28 =	sadd.s32 s2, s29  }
0x79: {  	[hbm4b:s28+s3] =	stream.linear.scatter [tilespmem:s10], [sflag:$0x3], $0x8000, $0x38;
	[tilespmem:$0x16400] =	vst v63  }
0x7a: {  	s28 =	sshll.u32 @!p0 s25, $0xA;
	_ =	swait.ge [sflag:s21], $0x8000  }
0x7b: {  	s30 =	simm.s32 @!p0 $0x80;
	s28 =	sand.u32 @!p0 $0x3FFFFC00, s28;
	[sflag:s21] =	ssyncset.done $0x0  }
0x7c: {  	s31 =	simm.s32 @!p0 $0x6400;
	s29 =	sadd.s32 @!p0 $0x400, s28;
	[sflag:s21] =	ssyncadd.s32 $0xFFFF8000  }
0x7d: {  	[tilespmem:s31], [sflag:$0x1] =	stream.indirect.gather @!p0 [hbm4b:s4+s30], $0x40, s29, s30, $0xb8;
	[tilespmem:$0x16400] =	vst v63  }
0x7e: {  	s29 =	sadd.s32 @!p0 $0x480, s28;
	s31 =	simm.s32 @!p0 $0x8400  }
0x7f: {  	[tilespmem:s31], [sflag:$0x1] =	stream.indirect.gather @!p0 [hbm4b:s4+s30], $0x40, s29, s30, $0xb8;
	[tilespmem:$0x16400] =	vst v63  }
0x80: {  	s29 =	sadd.s32 @!p0 $0x500, s28;
	s31 =	simm.s32 @!p0 $0xA400  }
0x81: {  	[tilespmem:s31], [sflag:$0x1] =	stream.indirect.gather @!p0 [hbm4b:s4+s30], $0x40, s29, s30, $0xb8;
	[tilespmem:$0x16400] =	vst v63  }
0x82: {  	s28 =	sadd.s32 @!p0 $0x580, s28;
	s29 =	simm.s32 @!p0 $0xC400  }
0x83: {  	[tilespmem:s29], [sflag:$0x1] =	stream.indirect.gather @!p0 [hbm4b:s4+s30], $0x40, s28, s30, $0xb8;
	[tilespmem:$0x16400] =	vst v63  }
0x84: {  	_ =	swait.ge [sflag:s22], $0x2000  }
0x85: {  	[sflag:s22] =	ssyncset.done $0x0  }
0x86: {  	[sflag:s22] =	ssyncadd.s32 $0xFFFFE000  }
0x87: {  	_ =	swait.ge [sflag:s22], $0x2000  }
0x88: {  	[sflag:s22] =	ssyncset.done $0x0  }
0x89: {  	[sflag:s22] =	ssyncadd.s32 $0xFFFFE000  }
0x8a: {  	_ =	swait.ge [sflag:s22], $0x2000  }
0x8b: {  	[sflag:s22] =	ssyncset.done $0x0  }
0x8c: {  	[sflag:s22] =	ssyncadd.s32 $0xFFFFE000  }
0x8d: {  	_ =	swait.ge [sflag:s22], $0x2000  }
0x8e: {  	[sflag:s22] =	ssyncset.done $0x0  }
0x8f: {  	s28 =	simm.s32 $0xE500;
	[sflag:s22] =	ssyncadd.s32 $0xFFFFE000  }
0x90: {  	v0 =	vld [tilespmem:s28+$0xF0]  }
0x91: {  	v1 =	vld [tilespmem:s28+$0xFFFFFF10]  }
0x92: {  	v2 =	vld [tilespmem:s28+$0xFFFFFF20]  }
0x93: {  	v3 =	vld [tilespmem:s28+$0xFFFFFF30]  }
0x94: {  	v4 =	vld [tilespmem:s28+$0xFFFFFF40]  }
0x95: {  	v5 =	vld [tilespmem:s28+$0xFFFFFF50];
	v0 =	vmul.f32 $8.000000000e+00, v0  }
0x96: {  	v6 =	vld [tilespmem:s28+$0xFFFFFF60];
	v1 =	vmul.f32 $8.000000000e+00, v1  }
0x97: {  	v7 =	vld [tilespmem:s28+$0xFFFFFF70];
	v2 =	vmul.f32 $8.000000000e+00, v2;
	[tilespmem:s28+$0xF0] =	vst v0  }
0x98: {  	[tilespmem:s28+$0xFFFFFF10] =	vst v1;
	v0 =	vmul.f32 $8.000000000e+00, v3;
	v1 =	vld [tilespmem:s28+$0xFFFFFF80]  }
0x99: {  	[tilespmem:s28+$0xFFFFFF20] =	vst v2;
	v2 =	vmul.f32 $8.000000000e+00, v4;
	v3 =	vld [tilespmem:s28+$0xFFFFFF90]  }
0x9a: {  	v4 =	vld [tilespmem:s28+$0xFFFFFFA0];
	[tilespmem:s28+$0xFFFFFF30] =	vst v0;
	v0 =	vmul.f32 $8.000000000e+00, v5  }
0x9b: {  	[tilespmem:s28+$0xFFFFFF40] =	vst v2;
	v2 =	vmul.f32 $8.000000000e+00, v6;
	v5 =	vld [tilespmem:s28+$0xFFFFFFB0]  }
0x9c: {  	v6 =	vld [tilespmem:s28+$0xFFFFFFC0];
	[tilespmem:s28+$0xFFFFFF50] =	vst v0;
	v0 =	vmul.f32 $8.000000000e+00, v7  }
0x9d: {  	[tilespmem:s28+$0xFFFFFF60] =	vst v2;
	v2 =	vld [tilespmem:s28+$0xFFFFFFD0];
	v1 =	vmul.f32 $8.000000000e+00, v1  }
0x9e: {  	[tilespmem:s28+$0xFFFFFF70] =	vst v0;
	v0 =	vmul.f32 $8.000000000e+00, v3;
	v3 =	vld [tilespmem:s28+$0xFFFFFFE0]  }
0x9f: {  	[tilespmem:s28+$0xFFFFFF80] =	vst v1;
	v1 =	vmul.f32 $8.000000000e+00, v4;
	v4 =	vld [tilespmem:s28+$0xFFFFFFF0]  }
0xa0: {  	[tilespmem:s28+$0xFFFFFF90] =	vst v0;
	v0 =	vmul.f32 $8.000000000e+00, v5;
	v5 =	vld [tilespmem:s28+$0x0]  }
0xa1: {  	[tilespmem:s28+$0xFFFFFFA0] =	vst v1;
	v1 =	vmul.f32 $8.000000000e+00, v6;
	v6 =	vld [tilespmem:s28+$0x10]  }
0xa2: {  	[tilespmem:s28+$0xFFFFFFB0] =	vst v0;
	v0 =	vmul.f32 $8.000000000e+00, v2;
	v2 =	vld [tilespmem:s28+$0x20]  }
0xa3: {  	[tilespmem:s28+$0xFFFFFFC0] =	vst v1;
	v1 =	vmul.f32 $8.000000000e+00, v3;
	v3 =	vld [tilespmem:s28+$0x30]  }
0xa4: {  	[tilespmem:s28+$0xFFFFFFD0] =	vst v0;
	v0 =	vmul.f32 $8.000000000e+00, v4;
	v4 =	vld [tilespmem:s28+$0x40]  }
0xa5: {  	[tilespmem:s28+$0xFFFFFFE0] =	vst v1;
	v1 =	vmul.f32 $8.000000000e+00, v5;
	v5 =	vld [tilespmem:s28+$0x50]  }
0xa6: {  	[tilespmem:s28+$0xFFFFFFF0] =	vst v0;
	v0 =	vmul.f32 $8.000000000e+00, v6;
	v6 =	vld [tilespmem:s28+$0x60]  }
0xa7: {  	[tilespmem:s28+$0x0] =	vst v1;
	v1 =	vmul.f32 $8.000000000e+00, v2;
	v2 =	vld [tilespmem:s28+$0x70]  }
0xa8: {  	[tilespmem:s28+$0x10] =	vst v0;
	v0 =	vmul.f32 $8.000000000e+00, v3;
	v3 =	vld [tilespmem:s28+$0x80]  }
0xa9: {  	[tilespmem:s28+$0x20] =	vst v1;
	v1 =	vmul.f32 $8.000000000e+00, v4;
	v4 =	vld [tilespmem:s28+$0x90]  }
0xaa: {  	v7 =	vld [tilespmem:s28+$0xA0];
	[tilespmem:s28+$0x30] =	vst v0;
	v5 =	vmul.f32 $8.000000000e+00, v5  }
0xab: {  	v0 =	vld [tilespmem:s28+$0xB0];
	[tilespmem:s28+$0x40] =	vst v1;
	v6 =	vmul.f32 $8.000000000e+00, v6  }
0xac: {  	v1 =	vld [tilespmem:s28+$0xC0];
	[tilespmem:s28+$0x50] =	vst v5;
	v5 =	vmul.f32 $8.000000000e+00, v2  }
0xad: {  	v2 =	vld [tilespmem:s28+$0xD0];
	[tilespmem:s28+$0x60] =	vst v6;
	v6 =	vmul.f32 $8.000000000e+00, v3  }
0xae: {  	v3 =	vld [tilespmem:s28+$0xE0];
	[tilespmem:s28+$0x70] =	vst v5;
	v5 =	vmul.f32 $8.000000000e+00, v4  }
0xaf: {  	s29 =	simm.s32 $0x0;
	s30 =	simm.s32 $0xE700;
	v4 =	vld [tilespmem:s28+$0xFFFFFF00];
	[tilespmem:s28+$0x80] =	vst v6;
	v6 =	vmul.f32 $8.000000000e+00, v7  }
.LBB2_5:
0xb0: {  	v7 =	vld [tilespmem:s30+$0xF0];
	s29 =	sadd.s32 $0x8, s29;
	[tilespmem:s28+$0x90] =	vst v5;
	v0 =	vmul.f32 $8.000000000e+00, v0  }
0xb1: {  	v5 =	vld [tilespmem:s30+$0xFFFFFF10];
	p0 =	slt.u32 s29, $0x1F8;
	[tilespmem:s28+$0xA0] =	vst v6;
	v1 =	vmul.f32 $8.000000000e+00, v1  }
0xb2: {  	v6 =	vld [tilespmem:s30+$0xFFFFFF20];
	[tilespmem:s28+$0xB0] =	vst v0;
	v0 =	vmul.f32 $8.000000000e+00, v2  }
0xb3: {  	v2 =	vld [tilespmem:s30+$0xFFFFFF30];
	[tilespmem:s28+$0xC0] =	vst v1;
	v1 =	vmul.f32 $8.000000000e+00, v3  }
0xb4: {  	v3 =	vld [tilespmem:s30+$0xFFFFFF40];
	v4 =	vmul.f32 $8.000000000e+00, v4;
	[tilespmem:s28+$0xD0] =	vst v0  }
0xb5: {  	v0 =	vld [tilespmem:s30+$0xFFFFFF50];
	v7 =	vmul.f32 $8.000000000e+00, v7;
	[tilespmem:s28+$0xE0] =	vst v1  }
0xb6: {  	v1 =	vmul.f32 $8.000000000e+00, v5;
	v5 =	vld [tilespmem:s30+$0xFFFFFF60];
	[tilespmem:s28+$0xFFFFFF00] =	vst v4;
	s28 =	smov.u32 s30  }
0xb7: {  	v4 =	vmul.f32 $8.000000000e+00, v6;
	v6 =	vld [tilespmem:s30+$0xFFFFFF70];
	[tilespmem:s30+$0xF0] =	vst v7  }
0xb8: {  	[tilespmem:s30+$0xFFFFFF10] =	vst v1;
	v1 =	vmul.f32 $8.000000000e+00, v2;
	v2 =	vld [tilespmem:s30+$0xFFFFFF80]  }
0xb9: {  	[tilespmem:s30+$0xFFFFFF20] =	vst v4;
	v3 =	vmul.f32 $8.000000000e+00, v3;
	v4 =	vld [tilespmem:s30+$0xFFFFFF90]  }
0xba: {  	[tilespmem:s30+$0xFFFFFF30] =	vst v1;
	v0 =	vmul.f32 $8.000000000e+00, v0;
	v1 =	vld [tilespmem:s30+$0xFFFFFFA0]  }
0xbb: {  	[tilespmem:s30+$0xFFFFFF40] =	vst v3;
	v3 =	vmul.f32 $8.000000000e+00, v5;
	v5 =	vld [tilespmem:s30+$0xFFFFFFB0]  }
0xbc: {  	[tilespmem:s30+$0xFFFFFF50] =	vst v0;
	v0 =	vmul.f32 $8.000000000e+00, v6;
	v6 =	vld [tilespmem:s30+$0xFFFFFFC0]  }
0xbd: {  	[tilespmem:s30+$0xFFFFFF60] =	vst v3;
	v2 =	vmul.f32 $8.000000000e+00, v2;
	v3 =	vld [tilespmem:s30+$0xFFFFFFD0]  }
0xbe: {  	[tilespmem:s30+$0xFFFFFF70] =	vst v0;
	v0 =	vmul.f32 $8.000000000e+00, v4;
	v4 =	vld [tilespmem:s30+$0xFFFFFFE0]  }
0xbf: {  	[tilespmem:s30+$0xFFFFFF80] =	vst v2;
	v1 =	vmul.f32 $8.000000000e+00, v1;
	v2 =	vld [tilespmem:s30+$0xFFFFFFF0]  }
0xc0: {  	[tilespmem:s30+$0xFFFFFF90] =	vst v0;
	v0 =	vmul.f32 $8.000000000e+00, v5;
	v5 =	vld [tilespmem:s30+$0x0]  }
0xc1: {  	[tilespmem:s30+$0xFFFFFFA0] =	vst v1;
	v1 =	vmul.f32 $8.000000000e+00, v6;
	v6 =	vld [tilespmem:s30+$0x10]  }
0xc2: {  	[tilespmem:s30+$0xFFFFFFB0] =	vst v0;
	v0 =	vmul.f32 $8.000000000e+00, v3;
	v3 =	vld [tilespmem:s30+$0x20]  }
0xc3: {  	[tilespmem:s30+$0xFFFFFFC0] =	vst v1;
	v1 =	vmul.f32 $8.000000000e+00, v4;
	v4 =	vld [tilespmem:s30+$0x30]  }
0xc4: {  	[tilespmem:s30+$0xFFFFFFD0] =	vst v0;
	v0 =	vmul.f32 $8.000000000e+00, v2;
	v2 =	vld [tilespmem:s30+$0x40]  }
0xc5: {  	[tilespmem:s30+$0xFFFFFFE0] =	vst v1;
	v1 =	vmul.f32 $8.000000000e+00, v5;
	v5 =	vld [tilespmem:s30+$0x50]  }
0xc6: {  	[tilespmem:s30+$0xFFFFFFF0] =	vst v0;
	v0 =	vmul.f32 $8.000000000e+00, v6;
	v6 =	vld [tilespmem:s30+$0x60]  }
0xc7: {  	[tilespmem:s30+$0x0] =	vst v1;
	v1 =	vmul.f32 $8.000000000e+00, v3;
	v3 =	vld [tilespmem:s30+$0x70]  }
0xc8: {  	[tilespmem:s30+$0x10] =	vst v0;
	v0 =	vmul.f32 $8.000000000e+00, v4;
	v4 =	vld [tilespmem:s30+$0x80]  }
0xc9: {  	[tilespmem:s30+$0x20] =	vst v1;
	v1 =	vmul.f32 $8.000000000e+00, v2;
	v7 =	vld [tilespmem:s30+$0x90]  }
0xca: {  	[tilespmem:s30+$0x30] =	vst v0;
	v2 =	vmul.f32 $8.000000000e+00, v5;
	v8 =	vld [tilespmem:s30+$0xA0]  }
.Ltmp1:
0xcb: {  	[tilespmem:s30+$0x40] =	vst v1;
	v5 =	vmul.f32 $8.000000000e+00, v6;
	v0 =	vld [tilespmem:s30+$0xB0];
	(pc) =	sbr.rel @p0 .LBB2_5-.Ltmp1, $4  }
0xcc: {  	[tilespmem:s30+$0x50] =	vst v2;
	v3 =	vmul.f32 $8.000000000e+00, v3;
	v1 =	vld [tilespmem:s30+$0xC0]  }
0xcd: {  	[tilespmem:s30+$0x60] =	vst v5;
	v6 =	vmul.f32 $8.000000000e+00, v4;
	v2 =	vld [tilespmem:s30+$0xD0]  }
0xce: {  	[tilespmem:s30+$0x70] =	vst v3;
	v5 =	vmul.f32 $8.000000000e+00, v7;
	v3 =	vld [tilespmem:s30+$0xE0]  }
0xcf: {  	s30 =	sadd.s32 $0x200, s30;
	v4 =	vld [tilespmem:s28+$0xFFFFFF00];
	[tilespmem:s28+$0x80] =	vst v6;
	v6 =	vmul.f32 $8.000000000e+00, v8  }
0xd0: {  	[tilespmem:s28+$0x90] =	vst v5;
	v0 =	vmul.f32 $8.000000000e+00, v0  }
0xd1: {  	s25 =	sadd.s32 $0x1, s25;
	[tilespmem:s28+$0xA0] =	vst v6;
	v1 =	vmul.f32 $8.000000000e+00, v1  }
0xd2: {  	p0 =	sne.s32 s25, $0x19;
	[tilespmem:s28+$0xB0] =	vst v0;
	v61 =	vmul.f32 $8.000000000e+00, v2  }
.Ltmp2:
0xd3: {  	s26 =	sshll.u32 s26, $0xF;
	[tilespmem:s28+$0xC0] =	vst v1;
	v62 =	vmul.f32 $8.000000000e+00, v3;
	(pc) =	sbr.rel @p0 .LBB2_2-.Ltmp2, $4  }
0xd4: {  	s26 =	sadd.s32 s6, s26;
	v63 =	vmul.f32 $8.000000000e+00, v4;
	[tilespmem:s28+$0xD0] =	vst v61  }
0xd5: {  	s26 =	sshrl.u32 s26, $0x3;
	[tilespmem:s28+$0xE0] =	vst v62  }
0xd6: {  	s26 =	sadd.s32 s2, s26;
	[tilespmem:s28+$0xFFFFFF00] =	vst v63  }
0xd7: {  	[hbm4b:s26+s3] =	stream.linear.scatter [tilespmem:s16], [sflag:$0x4], $0x8000, $0x38;
	[tilespmem:$0x16400] =	vst v63  }
0xd8: {  	s24 =	sadd.s32 $0x1, s24  }
0xd9: {  	p0 =	sne.s32 s24, s7  }
.Ltmp3:
0xda: {  	_ = 	snop;
	(pc) =	sbr.rel @p0 .LBB2_1-.Ltmp3, $4  }
0xdb: {  	_ = 	snop  }
0xdc: {  	_ =	swait.ge [sflag:s23], $0x8000  }
0xdd: {  	[sflag:s23] =	ssyncset.done $0x0  }
0xde: {  	[sflag:s23] =	ssyncadd.s32 $0xFFFF8000  }
0xdf: {  	_ =	sfence.sel $0x180000  }
0xe0: {  	[bflag:$0x0] =	sbarrier.arrive $0xFFFF  }
0xe1: {  	p0 =	sne.s32 s0, $0x0;
	_ =	strace $0x90000047  }
0xe2: {  	s0 =	sadd.s32 @!p0 $0x100000, s1;
	[bflag:$0x2] =	sbarrier.arrive $0xFFFF  }
0xe3: {  	[sflag:s0] =	ssyncadd.tile.s32 @!p0 $0x1;
	_ =	shalt  }
.Lfunc_end2:
_tile_overlayer_lowered:
.L_overlay_start_2:
0xe4: {  	(tag) =	ssettag $0x2  }
0xe5: {  	s0 =	rddreg [dreg:$0x0];
	s2 =	stileid.u32  }
0xe6: {  	s1 =	rddreg [dreg:$0x1];
	p0 =	sne.s32 s2, $0x0  }
0xe7: {  	s3 =	rddreg [dreg:$0x2];
	[bflag:$0x3] =	sbarrier.arrive $0xFFFF;
	s2 =	simm.s32 @!p0 $0x1C05  }
0xe8: {  	[timem:s3], [sflag:s2] =	dma.local @!p0 [hbm:s0], s1  }
0xe9: {  	s0 =	simm.s32 @!p0 $0x5  }
0xea: {  	_ =	swait.ge @!p0 [sflag:s0], s1  }
0xeb: {  	s1 =	ssub.s32 @!p0 $0x0, s1;
	[sflag:s0] =	ssyncset.done @!p0 $0x0  }
0xec: {  	[sflag:s0] =	ssyncadd.s32 @!p0 s1  }
0xed: {  	[bflag:$0x3] =	sbarrier.arrive $0xFFFF  }
0xee: {  	_ =	shalt  }

// kernel: sparse-core-data-format-call.cloned.1.call-start
scs
called_computation_lowered:
.L_overlay_start_0:
0x0: {  	s2 =	sld [smem:$0x3FD9]  }
0x1: {  	s3 =	sld [smem:$0x3FFE];
	_ =	sdelay $0x1  }
0x2: {  	s1 =	srdreg.scid  }
0x3: {  	s0 =	sand.u32 $0x1, s1  }
0x4: {  	s18 =	sshll.u32 s0, $0xA;
	s2 =	sadd.s32 s3, s2  }
0x5: {  	s2 =	sadd.s32 s2, s18  }
0x6: {  	[smem:$0x3FC6] =	sst s2  }
0x7: {  	_ = 	snop  }
0x8: {  	s2 =	sld [smem:$0x3FD0];
	(tm) =	ssettm $0x1  }
0x9: {  	s19 =	sld [smem:$0x3FFB];
	_ =	sdelay $0x3  }
0xa: {  	_ =	strace s19  }
0xb: {  	s3 =	sld [smem:$0x3FFC];
	_ =	sdelay $0x3  }
0xc: {  	_ =	strace s3  }
0xd: {  	s3 =	sld [smem:$0x3FFD];
	_ =	sdelay $0x3  }
0xe: {  	_ =	strace s3  }
0xf: {  	_ =	strace $0x8FFFFFFF  }
0x10: {  	s20 =	sld [smem:$0x3FDB];
	_ =	sdelay $0x1  }
0x11: {  	s4 =	simm.s32 $_scs_section_size  }
0x12: {  	s5 =	simm.s32 $_size__tile_overlayer_lowered;
	s6 =	simm.s32 $_tile_overlayer_lowered  }
0x13: {  	s23 =	simm.s32 $0x1BFF;
	s22 =	sshll.u32 s6, $0x1;
	s3 =	sadd.s32 s4, s20  }
0x14: {  	s7 =	simm.s32 $0x0;
	s21 =	sshll.u32 s5, $0x1;
	s5 =	sadd.s32 s22, s3  }
0x15: {  	[timem:s7], [sflag:s23] =	dma.local [hbm:s5], s21  }
0x16: {  	_ =	swait.ge [sflag:s23], s21  }
0x17: {  	s4 =	ssub.s32 $0x0, s21;
	[sflag:s23] =	ssyncset.done $0x0  }
0x18: {  	[sflag:s23] =	ssyncadd.s32 s4;
	_ =	sdelay $0x1  }
0x19: {  	s24 =	simm.s32 $0x1B8B  }
0x1a: {  	_ =	swait.ge [sflag:s24], $0x1  }
0x1b: {  	[sflag:s24] =	ssyncset.done $0x0  }
0x1c: {  	s26 =	simm.s32 $0x1B8E;
	s25 =	sld [smem:$0x3FFE];
	[sflag:s24] =	ssyncadd.s32 $0xFFFFFFFF  }
0x1d: {  	s27 =	simm.s32 $execute0_lowered;
	[smem:$0x3FD2] =	sst s26  }
0x1e: {  	s5 =	sshll.u32 s27, $0x1;
	_ =	strace $0x80000049;
	[dreg:$0x1] =	wrdreg $0xFFFFFFFF  }
0x1f: {  	s28 =	simm.s32 $_size_execute0_lowered;
	s3 =	sadd.s32 s3, s5;
	[dreg:$0x0] =	wrdreg $0x0  }
0x20: {  	s5 =	sshll.u32 s28, $0x1;
	[dreg:$0x2] =	wrdreg s3  }
0x21: {  	[dreg:$0x3] =	wrdreg s5  }
0x22: {  	[dreg:$0x4] =	wrdreg $0xC0  }
0x23: {  	_ =	task [dreg:s7], $0x5FFFF  }
0x24: {  	[dreg:$0x1] =	wrdreg $0xFFFFFFFF  }
0x25: {  	[dreg:$0x0] =	wrdreg $0x60  }
0x26: {  	[dreg:$0x2] =	wrdreg s25  }
0x27: {  	[dreg:$0x3] =	wrdreg s2  }
0x28: {  	[dreg:$0x4] =	wrdreg $0x9  }
0x29: {  	_ =	task.clear_ibuf [dreg:s7], $0x5FFFF;
	_ =	strace $0x90000049  }
0x2a: {  	s29 =	simm.s32 $0x9;
	_ =	strace $0x8000004B  }
0x2b: {  	_ =	swait.ge [sflag:s29], $0x1  }
0x2c: {  	[sflag:s29] =	ssyncadd.s32 $0xFFFFFFFF  }
0x2d: {  	_ =	strace $0x9000004B  }
0x2e: {  	_ =	sfence  }
0x2f: {  	s30 =	sld [smem:$0x0];
	_ =	sdelay $0x2  }
0x30: {  	s31 =	sshll.u32 s1, $0xD;
	s1 =	sshrl.u32 s1, $0x2  }
0x31: {  	s3 =	sand.u32 $0x4000, s31;
	s1 =	sadd.s32 s1, s30  }
0x32: {  	s0 =	sor.u32 s3, s0;
	s1 =	sshll.u32 s1, $0x11  }
0x33: {  	s0 =	sor.u32 s1, s0  }
0x34: {  	s0 =	sadd.s32 $0x8F2B, s0  }
0x35: {  	[sflag:s0] =	ssyncadd.remote.s32 $0x1  }
0x36: {  	_ =	sfence.sel $0xFFFF  }
0x37: {  	[dreg:$0x0] =	wrdreg $0xFFFFFFFF;
	(pc) =	sbr.abs _section_cstart, $3  }
0x38: {  	[dreg:$0x1] =	wrdreg $0xFFFFFFFF  }
0x39: {  	_ =	task.clear_ibuf [dreg:s7], $0x2FFFF;
	_ =	strace $0x9FFFFFFF  }
0x3a: {  	(tm) =	ssettm $0x7FFFFFFF  }
0x3b: {  	_ =	shalt  }
tec
execute0_lowered:
.L_overlay_start_1:
0x0: {  	(tag) =	ssettag $0x1  }
0x1: {  	s0 =	srdreg.scid  }
0x2: {  	s1 =	sshll.u32 s0, $0x4  }
0x3: {  	s4 =	rddreg [dreg:$0x0];
	s0 =	stileid.u32;
	s1 =	sand.u32 $0x10, s1  }
0x4: {  	s2 =	rddreg [dreg:$0x1];
	s7 =	simm.s32 $0x1;
	s1 =	sor.u32 s0, s1  }
0x5: {  	s8 =	simm.s32 $0x2;
	s11 =	simm.s32 $0x0;
	s3 =	sshll.u32 s1, $0x7  }
0x6: {  	s10 =	simm.s32 $0x0;
	s4 =	sadd.s32 $0x800, s4;
	s6 =	ssub.s32 $0xC8000, s3  }
.Ltmp0:
0x7: {  	s1 =	rddreg [dreg:$0x2];
	s5 =	sand.u32 $0xF80, s6;
	(pc) =	sbr.rel .LBB1_1-.Ltmp0, $4  }
0x8: {  	_ =	strace $0x8000004A;
	s9 =	smov.u32 s3;
	p0 =	sne.s32 s5, $0x0  }
0x9: {  	s6 =	sshrl.u32 s6, $0xC;
	s5 =	simm.s32 $0x1;
	s7 =	simm.s32 @!p0 $0x0  }
0xa: {  	[sflag:s5] =	ssyncpa.u1 $0x0;
	p0 =	por $0x0, $0x0;
	s6 =	sadd.s32 s7, s6  }
0xb: {  	[sflag:s8] =	ssyncpa.u1 $0x0;
	s8 =	simm.s32 $0x640000;
	s7 =	sadd.s32 $0x1, s6  }
.LBB1_4:
0xc: {  	s14 =	sshll.u32 s11, $0x3  }
0xd: {  	s30 =	sand.u32 $0x7F, s11;
	s15 =	sand.u32 $0xFFFFFC00, s14  }
0xe: {  	s11 =	sor.u32 s30, s15  }
0xf: {  	s15 =	smulhi.u32 $0x51EB851F, s11  }
0x10: {  	s14 =	smulhi.u32 $0x51EB851F, s14  }
0x11: {  	s15 =	sshrl.u32 s15, $0x12  }
0x12: {  	s14 =	sshrl.u32 s14, $0x12;
	s15 =	smul.u32 $0xC8000, s15  }
0x13: {  	s14 =	sand.u32 $0x3F, s14  }
0x14: {  	s14 =	smul.u32 $0x19000, s14;
	s11 =	ssub.s32 s11, s15  }
0x15: {  	[tilespmem:s13+$0x810 ss:$0x81] =	vst.msk $0xffff, v2;
	s15 =	sand.u32 $0x7, s11  }
0x16: {  	[tilespmem:s13+$0x1020 ss:$0x81] =	vst.msk $0xffff, v0;
	s14 =	sadd.s32 s2, s14;
	s11 =	sshrl.u32 s11, $0x3;
	s15 =	sshll.u32 s15, $0x12  }
0x17: {  	[tilespmem:s13+$0x0 ss:$0x81] =	vst.msk $0xffff, v1;
	s11 =	sadd.s32 s11, s14;
	s31 =	sor.u32 $0x400, s15  }
0x18: {  	[hbm4b:s11+s31] =	stream.strided.scatter [tilespmem:s12], [sflag:$0x2], $0x2000, s8, s31, $0x20;
	[tilespmem:$0x8080] =	vst v63  }
.LBB1_5:
0x19: {  	s13 =	sadd.s32 $0x1000, s9  }
0x1a: {  	p2 =	sgt.s32 s13, $0xC7FFF  }
0x1b: {  	s13 =	smov.u32 @p2 s3;
	p2 =	sne.s32 s10, s7  }
.Ltmp1:
0x1c: {  	p1 =	slt.u32 s10, $0x2;
	(pc) =	sbr.rel @!p2 .LBB1_6-.Ltmp1, $4  }
0x1d: {  	s12 =	simm.s32 @!p1 $0x2  }
0x1e: {  	s14 =	sadd.s32 $0x1, s10;
	_ =	swait.ge @!p1 [sflag:s12], $0x2000  }
0x1f: {  	s11 =	smov.u32 s9;
	p0 =	por !p0, !p0;
	[sflag:s12] =	ssyncset.done @!p1 $0x0  }
0x20: {  	s10 =	smov.u32 s14;
	s9 =	smov.u32 s13;
	[sflag:s12] =	ssyncadd.s32 @!p1 $0xFFFFE000  }
.LBB1_1:
0x21: {  	p1 =	sge.u32 s10, s6  }
0x22: {  	s12 =	sand.u32 @!p1 $0x1FFFFFF, s9  }
0x23: {  	s13 =	smulhi.u32 @!p1 $0x147AE15, s12;
	_ =	sdelay $0x1  }
0x24: {  	s13 =	sshrl.u32 @!p1 s13, $0xC  }
0x25: {  	s13 =	smul.u32 @!p1 $0xC8000, s13;
	_ =	sdelay $0x1  }
0x26: {  	s31 =	sadd.s32 $0xFFFFFFFF, s10;
	s14 =	sxor.u32 @!p1 $0xFFFFFFFF, s10;
	s12 =	ssub.s32 @!p1 s12, s13  }
0x27: {  	s15 =	simm.s32 @!p1 $0x80;
	s14 =	sshll.u32 @!p1 s14, $0xD;
	s12 =	sshll.u32 @!p1 s12, $0x4  }
0x28: {  	s13 =	sand.u32 @!p1 $0x2000, s14;
	s14 =	simm.s32 @!p1 $0x40;
	s12 =	sadd.s32 @!p1 s4, s12  }
0x29: {  	[tilespmem:s13], [sflag:$0x1] =	stream.strided.gather @!p1 [hbm4b:s12+s14], $0x2000, s15, s14, $0x38;
	[tilespmem:$0x8080] =	vst v63  }
0x2a: {  	p1 =	sge.u32 s31, s6  }
.Ltmp2:
0x2b: {  	_ = 	snop;
	(pc) =	sbr.rel @p1 .LBB1_5-.Ltmp2, $1  }
0x2c: {  	_ =	sdelay $0x3  }
0x2d: {  	s12 =	simm.s32 $0x1  }
0x2e: {  	_ =	swait.ge [sflag:s5], $0x2000;
	s12 =	simm.s32 @!p0 $0x0  }
0x2f: {  	[sflag:s5] =	ssyncset.done $0x0;
	s13 =	sshll.u32 s12, $0xD  }
0x30: {  	[sflag:s5] =	ssyncadd.s32 $0xFFFFE000;
	s16 =	sor.u32 $0x20, s13  }
0x31: {  	s12 =	smul.u32 $0x8100, s12;
	v3 =	vld [tilespmem:s16+$0x10]  }
0x32: {  	s30 =	sand.u32 $0x1, s10;
	v2 =	vld [tilespmem:s16+$0xFFFFFFF0]  }
0x33: {  	s13 =	smul.u32 $0x8100, s30;
	s12 =	sshrl.u32 s12, $0x2;
	v0 =	vld [tilespmem:s16+$0x0]  }
0x34: {  	v1 =	vld [tilespmem:s16+$0xFFFFFFE0];
	s14 =	sor.u32 $0x4000, s12  }
0x35: {  	s31 =	sshrl.u32 s13, $0x2;
	s13 =	sadd.s32 $0x0, s14  }
0x36: {  	s15 =	simm.s32 $0x4;
	s16 =	sadd.s32 $0x40, s16;
	s12 =	sor.u32 $0x4000, s31;
	[tilespmem:s13+$0x1830 ss:$0x81] =	vst.msk $0xffff, v3  }
.LBB1_3:
0x37: {  	v3 =	vld [tilespmem:s16+$0x10];
	p1 =	sne.s32 s15, $0x1FC;
	[tilespmem:s13+$0x810 ss:$0x81] =	vst.msk $0xffff, v2;
	s17 =	smov.u32 s15;
	s15 =	sadd.s32 $0x4, s15  }
.Ltmp3:
0x38: {  	v2 =	vld [tilespmem:s16+$0xFFFFFFF0];
	[tilespmem:s13+$0x1020 ss:$0x81] =	vst.msk $0xffff, v0;
	(pc) =	sbr.rel @p1 .LBB1_3-.Ltmp3, $4  }
0x39: {  	v0 =	vld [tilespmem:s16+$0x0];
	[tilespmem:s13+$0x0 ss:$0x81] =	vst.msk $0xffff, v1  }
0x3a: {  	s13 =	sshra.s32 s17, $0x2;
	v1 =	vld [tilespmem:s16+$0xFFFFFFE0]  }
0x3b: {  	s13 =	sadd.s32 s13, s14  }
0x3c: {  	s16 =	sadd.s32 $0x40, s16;
	[tilespmem:s13+$0x1830 ss:$0x81] =	vst.msk $0xffff, v3  }
.Ltmp4:
0x3d: {  	_ = 	snop;
	(pc) =	sbr.rel .LBB1_4-.Ltmp4, $1  }
0x3e: {  	_ =	sdelay $0x3  }
.LBB1_6:
0x3f: {  	_ =	sfence.sel $0x180000  }
0x40: {  	s2 =	simm.s32 $0x1;
	[bflag:$0x0] =	sbarrier.arrive $0xFFFF  }
0x41: {  	s31 =	simm.s32 $0x2;
	[sflag:s2] =	ssyncpa.u1 $0x1  }
0x42: {  	[sflag:s31] =	ssyncpa.u1 $0x1  }
0x43: {  	p0 =	sne.s32 s0, $0x0;
	_ =	strace $0x9000004A  }
0x44: {  	s0 =	sadd.s32 @!p0 $0x100000, s1;
	[bflag:$0x2] =	sbarrier.arrive $0xFFFF  }
0x45: {  	[sflag:s0] =	ssyncadd.tile.s32 @!p0 $0x1;
	_ =	shalt  }
.Lfunc_end1:
_tile_overlayer_lowered:
.L_overlay_start_2:
0x46: {  	(tag) =	ssettag $0x2  }
0x47: {  	s0 =	rddreg [dreg:$0x0];
	s2 =	stileid.u32  }
0x48: {  	s1 =	rddreg [dreg:$0x1];
	p0 =	sne.s32 s2, $0x0  }
0x49: {  	s3 =	rddreg [dreg:$0x2];
	[bflag:$0x3] =	sbarrier.arrive $0xFFFF;
	s2 =	simm.s32 @!p0 $0x1C01  }
0x4a: {  	[timem:s3], [sflag:s2] =	dma.local @!p0 [hbm:s0], s1  }
0x4b: {  	s0 =	simm.s32 @!p0 $0x1  }
0x4c: {  	_ =	swait.ge @!p0 [sflag:s0], s1  }
0x4d: {  	s1 =	ssub.s32 @!p0 $0x0, s1;
	[sflag:s0] =	ssyncset.done @!p0 $0x0  }
0x4e: {  	[sflag:s0] =	ssyncadd.s32 @!p0 s1  }
0x4f: {  	[bflag:$0x3] =	sbarrier.arrive $0xFFFF  }
0x50: {  	_ =	shalt  }

</sc_bundles>
